<compile_context>
chip_gen: v7x
topology: tpu7x:2x2x1
jax: 0.10.2.dev20260603
libtpu: 0.0.44.dev20260713+nightly
codegen_flags: <defaults>
</compile_context>

<pallas_src>
import functools

import jax
import jax.numpy as jnp
from jax import lax
from jax.experimental import pallas as pl
from jax.experimental.pallas import tpu as pltpu
from jax.experimental.pallas import tpu_sc as plsc

V = 100001
T_TBL = 1001
CV = 257
WD = 300
CD = 200
K = 5
HD = WD + CD
WORD_RANGE = V - T_TBL
B, L, C = 64, 200, 16
NTOK = B * L

_NC, _NS = 2, 16
_NW = _NC * _NS
_BPW = NTOK // _NW
_CHUNK = 80
_NCH = _BPW // _CHUNK


WDP = 384

_HEADW = 256
_TAILW = WD - _HEADW
_PADBLK = 2048
_PADGRID = -(-V // _PADBLK)


def _pad_body(src_ref, dst_ref):
    dst_ref[:, :_TAILW] = src_ref[:, :_TAILW]
    dst_ref[:, _TAILW:] = jnp.zeros((_PADBLK, 128 - _TAILW), jnp.float32)


def _tail_table(word_table):
    return pl.pallas_call(
        _pad_body,
        grid=(_PADGRID,),
        in_specs=[pl.BlockSpec((_PADBLK, 128), lambda i: (i, 2))],
        out_specs=pl.BlockSpec((_PADBLK, 128), lambda i: (i, 0)),
        out_shape=jax.ShapeDtypeStruct((V, 128), jnp.float32),
    )(word_table)


def _sc_gather_body(table_hbm, tail_hbm, idx_hbm, out_hbm,
                    idx_v, head_v, tail_v, sem, sem2):
    wid = lax.axis_index("s") * _NC + lax.axis_index("c")
    base = wid * _BPW
    for j in range(_NCH):
        pltpu.sync_copy(idx_hbm.at[pl.ds(base + j * _CHUNK, _CHUNK)], idx_v.at[j])
    for j in range(_NCH):
        b = j % 2
        h1 = pltpu.async_copy(
            table_hbm.at[idx_v.at[j], pl.ds(0, _HEADW)], head_v.at[b], sem)
        h2 = pltpu.async_copy(tail_hbm.at[idx_v.at[j]], tail_v.at[b], sem2)
        h1.wait()
        h2.wait()
        row0 = base + j * _CHUNK
        pltpu.sync_copy(head_v.at[b],
                        out_hbm.at[pl.ds(row0, _CHUNK), pl.ds(0, _HEADW)])
        pltpu.sync_copy(tail_v.at[b],
                        out_hbm.at[pl.ds(row0, _CHUNK), pl.ds(_HEADW, 128)])


def _sc_word_gather(word_table, tail_tbl, flat_words):
    mesh = plsc.VectorSubcoreMesh(core_axis_name="c", subcore_axis_name="s")
    f = pl.kernel(
        _sc_gather_body,
        out_type=jax.ShapeDtypeStruct((NTOK, WDP), jnp.float32),
        mesh=mesh,
        scratch_types=[
            pltpu.VMEM((_NCH, _CHUNK), jnp.int32),
            pltpu.VMEM((2, _CHUNK, _HEADW), jnp.float32),
            pltpu.VMEM((2, _CHUNK, 128), jnp.float32),
            pltpu.SemaphoreType.DMA,
            pltpu.SemaphoreType.DMA,
        ],
    )
    return f(word_table, tail_tbl, flat_words)


TBLK = 512
GRID = NTOK // TBLK


def _tc_body(we_ref, w_ref, ch_ref, tt_ref, ct_ref, cw_ref, cb_ref,
             w1t_ref, b1t_ref, w1h_ref, b1h_ref,
             w2t_ref, b2t_ref, w2h_ref, b2h_ref,
             out_ref, cep_ref):
    f32 = jnp.float32
    bf16 = jnp.bfloat16
    words = w_ref[0, 0, :]
    tidx = jnp.maximum(words - WORD_RANGE, 0)
    oh_t = (lax.broadcasted_iota(jnp.int32, (TBLK, T_TBL), 1)
            == tidx[:, None]).astype(bf16)
    te = jnp.dot(oh_t, tt_ref[...], preferred_element_type=f32)
    x_we = we_ref[...][:, :WD] + jnp.maximum(te, 0.0)

    ch_t = ch_ref[0].T
    oh_c = (lax.broadcasted_iota(jnp.int32, (C, TBLK, CV - 1), 2)
            == ch_t[:, :, None]).astype(bf16)
    ce = jnp.dot(oh_c.reshape(C * TBLK, CV - 1), ct_ref[:CV - 1, :],
                 preferred_element_type=f32)
    m256 = (ch_t == CV - 1).astype(f32)[:, :, None]
    ce3 = (ce.reshape(C, TBLK, CD)
           + m256 * ct_ref[CV - 1:CV, :].astype(f32)).astype(bf16)

    cep_ref[0:2] = jnp.zeros((2, TBLK, CD), bf16)
    cep_ref[2:2 + C] = ce3
    cep_ref[2 + C:] = jnp.zeros((2, TBLK, CD), bf16)

    acc = None
    for k in range(K):
        sl = cep_ref[k:k + C].reshape(C * TBLK, CD)
        d = jnp.dot(sl, cw_ref[k], preferred_element_type=f32)
        acc = d if acc is None else acc + d
    acc = jnp.maximum(acc + cb_ref[0], 0.0)
    cpool = jnp.max(acc.reshape(C, TBLK, CD), axis=0)

    x = jnp.concatenate([x_we, cpool], axis=1)
    for wt_ref, bt_ref, wh_ref, bh_ref in (
            (w1t_ref, b1t_ref, w1h_ref, b1h_ref),
            (w2t_ref, b2t_ref, w2h_ref, b2h_ref)):
        xb = x.astype(bf16)
        t = jax.nn.sigmoid(jnp.dot(xb, wt_ref[...], preferred_element_type=f32)
                           + bt_ref[0])
        h = jnp.maximum(jnp.dot(xb, wh_ref[...], preferred_element_type=f32)
                        + bh_ref[0], 0.0)
        x = h * t + x * (1.0 - t)
    out_ref[...] = x


def _full(shape):
    nd = len(shape)
    return pl.BlockSpec(shape, lambda i, _n=nd: (0,) * _n)


def _tc_fused(we, flat_words, chars2d, trainable_table, char_table, conv_w,
              conv_b, hw1_wt, hw1_bt, hw1_wh, hw1_bh, hw2_wt, hw2_bt,
              hw2_wh, hw2_bh):
    words_r = flat_words.reshape(GRID, 1, TBLK)
    chars_r = chars2d.reshape(GRID, TBLK, C)
    return pl.pallas_call(
        _tc_body,
        grid=(GRID,),
        in_specs=[
            pl.BlockSpec((TBLK, WDP), lambda i: (i, 0)),
            pl.BlockSpec((1, 1, TBLK), lambda i: (i, 0, 0)),
            pl.BlockSpec((1, TBLK, C), lambda i: (i, 0, 0)),
            _full((T_TBL, WD)),
            _full((CV, CD)),
            _full((K, CD, CD)),
            _full((1, CD)),
            _full((HD, HD)), _full((1, HD)), _full((HD, HD)), _full((1, HD)),
            _full((HD, HD)), _full((1, HD)), _full((HD, HD)), _full((1, HD)),
        ],
        out_specs=pl.BlockSpec((TBLK, HD), lambda i: (i, 0)),
        out_shape=jax.ShapeDtypeStruct((NTOK, HD), jnp.float32),
        scratch_shapes=[pltpu.VMEM((C + 4, TBLK, CD), jnp.bfloat16)],
    )(we, words_r, chars_r,
      trainable_table.astype(jnp.bfloat16), char_table.astype(jnp.bfloat16),
      conv_w.astype(jnp.bfloat16), conv_b.reshape(1, CD),
      hw1_wt.astype(jnp.bfloat16), hw1_bt.reshape(1, HD),
      hw1_wh.astype(jnp.bfloat16), hw1_bh.reshape(1, HD),
      hw2_wt.astype(jnp.bfloat16), hw2_bt.reshape(1, HD),
      hw2_wh.astype(jnp.bfloat16), hw2_bh.reshape(1, HD))


def kernel(words, chars, word_table, trainable_table, char_table, conv_w,
           conv_b, hw1_wt, hw1_bt, hw1_wh, hw1_bh, hw2_wt, hw2_bt, hw2_wh,
           hw2_bh):
    flat_words = words.reshape(NTOK)
    chars2d = chars.reshape(NTOK, C)
    tail_tbl = _tail_table(word_table)
    we = _sc_word_gather(word_table, tail_tbl, flat_words)
    out = _tc_fused(we, flat_words, chars2d, trainable_table, char_table,
                    conv_w, conv_b, hw1_wt, hw1_bt, hw1_wh, hw1_bh,
                    hw2_wt, hw2_bt, hw2_wh, hw2_bh)
    return out.reshape(B, L, HD)

# --- scband reference (transcript-rebuilt; emitter-appended) ---
"""Pipeline reference for scband-embedding-layer-39651138076903 (READ-ONLY COPY).

The authoritative reference and input builder live on the scoring server;
editing this copy changes nothing except your own understanding.
"""

import jax, jax.numpy as jnp
import numpy as np

V = 100001
T = 1001
CV = 257
WD = 300
CD = 200
K = 5
HD = WD + CD
WORD_RANGE = V - T
B, L, C = 64, 200, 16


def setup_inputs(seed: int = 0) -> dict:
    key = jax.random.key(seed)
    ks = jax.random.split(key, 12)
    words = jax.random.randint(ks[0], (B, L), 0, V, dtype=jnp.int32)
    chars = jax.random.randint(ks[1], (B, L, C), 0, CV, dtype=jnp.int32)
    word_table = jax.random.normal(ks[2], (V, WD), jnp.float32) * 0.02
    trainable_table = jax.random.normal(ks[3], (T, WD), jnp.float32) * 0.02
    char_table = jax.random.normal(ks[4], (CV, CD), jnp.float32) * 0.02
    conv_w = jax.random.normal(ks[5], (K, CD, CD), jnp.float32) * (1.0 / np.sqrt(K * CD))
    conv_b = jnp.zeros((CD,), jnp.float32)
    hw1_wt = jax.random.normal(ks[6], (HD, HD), jnp.float32) * (1.0 / np.sqrt(HD))
    hw1_bt = jnp.full((HD,), -1.0, jnp.float32)
    hw1_wh = jax.random.normal(ks[7], (HD, HD), jnp.float32) * (1.0 / np.sqrt(HD))
    hw1_bh = jnp.zeros((HD,), jnp.float32)
    hw2_wt = jax.random.normal(ks[8], (HD, HD), jnp.float32) * (1.0 / np.sqrt(HD))
    hw2_bt = jnp.full((HD,), -1.0, jnp.float32)
    hw2_wh = jax.random.normal(ks[9], (HD, HD), jnp.float32) * (1.0 / np.sqrt(HD))
    hw2_bh = jnp.zeros((HD,), jnp.float32)
    return {
        'words': words, 'chars': chars,
        'word_table': word_table, 'trainable_table': trainable_table, 'char_table': char_table,
        'conv_w': conv_w, 'conv_b': conv_b,
        'hw1_wt': hw1_wt, 'hw1_bt': hw1_bt, 'hw1_wh': hw1_wh, 'hw1_bh': hw1_bh,
        'hw2_wt': hw2_wt, 'hw2_bt': hw2_bt, 'hw2_wh': hw2_wh, 'hw2_bh': hw2_bh,
    }


def _highway(x, wt, bt, wh, bh):
    t = jax.nn.sigmoid(x @ wt + bt)
    h = jax.nn.relu(x @ wh + bh)
    return h * t + x * (1.0 - t)


def reference(words, chars, word_table, trainable_table, char_table, conv_w, conv_b,
              hw1_wt, hw1_bt, hw1_wh, hw1_bh, hw2_wt, hw2_bt, hw2_wh, hw2_bh):
    b, l = words.shape
    c = chars.shape[2]
    # word embedding lookup
    we = jnp.take(word_table, words, axis=0)
    # char embedding lookup -> [B*L, C, CD]
    ce = jnp.take(char_table, chars, axis=0)
    ce = ce.reshape(-1, c, CD)
    # char conv (Conv1D, padding same, relu) + max pool over chars
    ce = jax.lax.conv_general_dilated(ce, conv_w, window_strides=(1,), padding='SAME',
                                      dimension_numbers=('NWC', 'WIO', 'NWC')) + conv_b
    ce = jax.nn.relu(ce)
    ce = jnp.max(ce, axis=1)
    ce = ce.reshape(b, l, CD)
    # trainable embedding: shift ids, ReLU-threshold to 0, lookup, relu (faithful to module)
    tidx = jnp.maximum(words - WORD_RANGE, 0)
    te = jax.nn.relu(jnp.take(trainable_table, tidx, axis=0))
    we = we + te
    emb = jnp.concatenate([we, ce], axis=2)
    emb = _highway(emb, hw1_wt, hw1_bt, hw1_wh, hw1_bh)
    emb = _highway(emb, hw2_wt, hw2_bt, hw2_wh, hw2_bh)
    return emb

if __name__ == "__main__":
    import jax
    _d = setup_inputs()
    print(jax.jit(kernel)(*tuple(_d.values())))

</pallas_src>

<mosaic_0001>
#map = affine_map<(d0, d1) -> (0, 0)>
#map1 = affine_map<(d0, d1) -> (0)>
module attributes {stable_mosaic.version = 14 : i64} {
  func.func @_sc_gather_body(%arg0: i32, %arg1: i32, %arg2: memref<100001x300xf32, #tpu.memory_space<hbm>>, %arg3: memref<100001x128xf32, #tpu.memory_space<hbm>>, %arg4: memref<12800xi32, #tpu.memory_space<hbm>>, %arg5: memref<12800x384xf32, #tpu.memory_space<hbm>>, %arg6: memref<5x80xi32, #tpu.memory_space<vmem>>, %arg7: memref<2x80x256xf32, #tpu.memory_space<vmem>>, %arg8: memref<2x80x128xf32, #tpu.memory_space<vmem>>, %arg9: memref<!tpu.dma_semaphore, #tpu.memory_space<semaphore_mem>>, %arg10: memref<!tpu.dma_semaphore, #tpu.memory_space<semaphore_mem>>) attributes {dimension_semantics = [#tpu.dimension_semantics<core_parallel>, #tpu.dimension_semantics<subcore_parallel>], iteration_bounds = array<i64: 2, 16>, scalar_prefetch = 0 : i64, scratch_operands = 5 : i64, tpu.core_type = #tpu.core_type<sc_vector_subcore>, window_params = [{transform_indices = #map}, {transform_indices = #map}, {transform_indices = #map1}, {transform_indices = #map}]} {
    %mul3A = arith.constant 2 : i32
    %mul3A_0 = arith.muli %arg1, %mul3A : i32
    %add3A = arith.addi %mul3A_0, %arg0 : i32
    %mul3A_1 = arith.constant 400 : i32
    %mul3A_2 = arith.muli %add3A, %mul3A_1 : i32
    %add3A_3 = arith.constant 0 : i32
    %add3A_4 = arith.addi %mul3A_2, %add3A_3 : i32
    %run_scoped3A = arith.constant 0 : i32
    "tpu.region"() ({
      %run_scoped3A_275 = tpu.sem_alloc : memref<!tpu.dma_semaphore, #tpu.memory_space<semaphore_mem>>
      %dma_start3A_276 = arith.constant 0 : i32
      %dma_start3A_277 = tpu.memref_slice %arg6[%run_scoped3A, %dma_start3A_276] : memref<5x80xi32, #tpu.memory_space<vmem>> -> memref<1x80xi32, #tpu.memory_space<vmem>>
      %dma_start3A_278 = tpu.memref_squeeze %dma_start3A_277 : memref<1x80xi32, #tpu.memory_space<vmem>> -> memref<80xi32, #tpu.memory_space<vmem>>
      %dma_start3A_279 = tpu.memref_slice %arg4[%add3A_4] : memref<12800xi32, #tpu.memory_space<hbm>> -> memref<80xi32, #tpu.memory_space<hbm>>
      %dma_start3A_280 = arith.constant 0 : i32
      %dma_start3A_281 = tpu.memref_slice %arg6[%run_scoped3A, %dma_start3A_280] : memref<5x80xi32, #tpu.memory_space<vmem>> -> memref<1x80xi32, #tpu.memory_space<vmem>>
      %dma_start3A_282 = tpu.memref_squeeze %dma_start3A_281 : memref<1x80xi32, #tpu.memory_space<vmem>> -> memref<80xi32, #tpu.memory_space<vmem>>
      %dma_start3A_283 = tpu.memref_slice %arg4[%add3A_4] : memref<12800xi32, #tpu.memory_space<hbm>> -> memref<80xi32, #tpu.memory_space<hbm>>
      tpu.enqueue_dma source(%dma_start3A_283 : memref<80xi32, #tpu.memory_space<hbm>>) target(%dma_start3A_282 : memref<80xi32, #tpu.memory_space<vmem>>) target_semaphore(%run_scoped3A_275 : memref<!tpu.dma_semaphore, #tpu.memory_space<semaphore_mem>>)
      %dma_wait3A_284 = arith.constant 0 : i32
      %dma_wait3A_285 = tpu.memref_slice %arg6[%run_scoped3A, %dma_wait3A_284] : memref<5x80xi32, #tpu.memory_space<vmem>> -> memref<1x80xi32, #tpu.memory_space<vmem>>
      %dma_wait3A_286 = tpu.memref_squeeze %dma_wait3A_285 : memref<1x80xi32, #tpu.memory_space<vmem>> -> memref<80xi32, #tpu.memory_space<vmem>>
      %dma_wait3A_287 = tpu.memref_slice %arg4[%add3A_4] : memref<12800xi32, #tpu.memory_space<hbm>> -> memref<80xi32, #tpu.memory_space<hbm>>
      %dma_wait3A_288 = arith.constant 0 : i32
      %dma_wait3A_289 = tpu.memref_slice %arg6[%run_scoped3A, %dma_wait3A_288] : memref<5x80xi32, #tpu.memory_space<vmem>> -> memref<1x80xi32, #tpu.memory_space<vmem>>
      %dma_wait3A_290 = tpu.memref_squeeze %dma_wait3A_289 : memref<1x80xi32, #tpu.memory_space<vmem>> -> memref<80xi32, #tpu.memory_space<vmem>>
      %dma_wait3A_291 = tpu.memref_slice %arg4[%add3A_4] : memref<12800xi32, #tpu.memory_space<hbm>> -> memref<80xi32, #tpu.memory_space<hbm>>
      tpu.wait_dma2 semaphore(%run_scoped3A_275 : memref<!tpu.dma_semaphore, #tpu.memory_space<semaphore_mem>>) src(%dma_wait3A_291 : memref<80xi32, #tpu.memory_space<hbm>>) dst(%dma_wait3A_290 : memref<80xi32, #tpu.memory_space<vmem>>)
      tpu.yield
    }) : () -> ()
    %add3A_5 = arith.constant 80 : i32
    %add3A_6 = arith.addi %mul3A_2, %add3A_5 : i32
    %run_scoped3A_7 = arith.constant 1 : i32
    "tpu.region"() ({
      %run_scoped3A_275 = tpu.sem_alloc : memref<!tpu.dma_semaphore, #tpu.memory_space<semaphore_mem>>
      %dma_start3A_276 = arith.constant 0 : i32
      %dma_start3A_277 = tpu.memref_slice %arg6[%run_scoped3A_7, %dma_start3A_276] : memref<5x80xi32, #tpu.memory_space<vmem>> -> memref<1x80xi32, #tpu.memory_space<vmem>>
      %dma_start3A_278 = tpu.memref_squeeze %dma_start3A_277 : memref<1x80xi32, #tpu.memory_space<vmem>> -> memref<80xi32, #tpu.memory_space<vmem>>
      %dma_start3A_279 = tpu.memref_slice %arg4[%add3A_6] : memref<12800xi32, #tpu.memory_space<hbm>> -> memref<80xi32, #tpu.memory_space<hbm>>
      %dma_start3A_280 = arith.constant 0 : i32
      %dma_start3A_281 = tpu.memref_slice %arg6[%run_scoped3A_7, %dma_start3A_280] : memref<5x80xi32, #tpu.memory_space<vmem>> -> memref<1x80xi32, #tpu.memory_space<vmem>>
      %dma_start3A_282 = tpu.memref_squeeze %dma_start3A_281 : memref<1x80xi32, #tpu.memory_space<vmem>> -> memref<80xi32, #tpu.memory_space<vmem>>
      %dma_start3A_283 = tpu.memref_slice %arg4[%add3A_6] : memref<12800xi32, #tpu.memory_space<hbm>> -> memref<80xi32, #tpu.memory_space<hbm>>
      tpu.enqueue_dma source(%dma_start3A_283 : memref<80xi32, #tpu.memory_space<hbm>>) target(%dma_start3A_282 : memref<80xi32, #tpu.memory_space<vmem>>) target_semaphore(%run_scoped3A_275 : memref<!tpu.dma_semaphore, #tpu.memory_space<semaphore_mem>>)
      %dma_wait3A_284 = arith.constant 0 : i32
      %dma_wait3A_285 = tpu.memref_slice %arg6[%run_scoped3A_7, %dma_wait3A_284] : memref<5x80xi32, #tpu.memory_space<vmem>> -> memref<1x80xi32, #tpu.memory_space<vmem>>
      %dma_wait3A_286 = tpu.memref_squeeze %dma_wait3A_285 : memref<1x80xi32, #tpu.memory_space<vmem>> -> memref<80xi32, #tpu.memory_space<vmem>>
      %dma_wait3A_287 = tpu.memref_slice %arg4[%add3A_6] : memref<12800xi32, #tpu.memory_space<hbm>> -> memref<80xi32, #tpu.memory_space<hbm>>
      %dma_wait3A_288 = arith.constant 0 : i32
      %dma_wait3A_289 = tpu.memref_slice %arg6[%run_scoped3A_7, %dma_wait3A_288] : memref<5x80xi32, #tpu.memory_space<vmem>> -> memref<1x80xi32, #tpu.memory_space<vmem>>
      %dma_wait3A_290 = tpu.memref_squeeze %dma_wait3A_289 : memref<1x80xi32, #tpu.memory_space<vmem>> -> memref<80xi32, #tpu.memory_space<vmem>>
      %dma_wait3A_291 = tpu.memref_slice %arg4[%add3A_6] : memref<12800xi32, #tpu.memory_space<hbm>> -> memref<80xi32, #tpu.memory_space<hbm>>
      tpu.wait_dma2 semaphore(%run_scoped3A_275 : memref<!tpu.dma_semaphore, #tpu.memory_space<semaphore_mem>>) src(%dma_wait3A_291 : memref<80xi32, #tpu.memory_space<hbm>>) dst(%dma_wait3A_290 : memref<80xi32, #tpu.memory_space<vmem>>)
      tpu.yield
    }) : () -> ()
    %add3A_8 = arith.constant 160 : i32
    %add3A_9 = arith.addi %mul3A_2, %add3A_8 : i32
    %run_scoped3A_10 = arith.constant 2 : i32
    "tpu.region"() ({
      %run_scoped3A_275 = tpu.sem_alloc : memref<!tpu.dma_semaphore, #tpu.memory_space<semaphore_mem>>
      %dma_start3A_276 = arith.constant 0 : i32
      %dma_start3A_277 = tpu.memref_slice %arg6[%run_scoped3A_10, %dma_start3A_276] : memref<5x80xi32, #tpu.memory_space<vmem>> -> memref<1x80xi32, #tpu.memory_space<vmem>>
      %dma_start3A_278 = tpu.memref_squeeze %dma_start3A_277 : memref<1x80xi32, #tpu.memory_space<vmem>> -> memref<80xi32, #tpu.memory_space<vmem>>
      %dma_start3A_279 = tpu.memref_slice %arg4[%add3A_9] : memref<12800xi32, #tpu.memory_space<hbm>> -> memref<80xi32, #tpu.memory_space<hbm>>
      %dma_start3A_280 = arith.constant 0 : i32
      %dma_start3A_281 = tpu.memref_slice %arg6[%run_scoped3A_10, %dma_start3A_280] : memref<5x80xi32, #tpu.memory_space<vmem>> -> memref<1x80xi32, #tpu.memory_space<vmem>>
      %dma_start3A_282 = tpu.memref_squeeze %dma_start3A_281 : memref<1x80xi32, #tpu.memory_space<vmem>> -> memref<80xi32, #tpu.memory_space<vmem>>
      %dma_start3A_283 = tpu.memref_slice %arg4[%add3A_9] : memref<12800xi32, #tpu.memory_space<hbm>> -> memref<80xi32, #tpu.memory_space<hbm>>
      tpu.enqueue_dma source(%dma_start3A_283 : memref<80xi32, #tpu.memory_space<hbm>>) target(%dma_start3A_282 : memref<80xi32, #tpu.memory_space<vmem>>) target_semaphore(%run_scoped3A_275 : memref<!tpu.dma_semaphore, #tpu.memory_space<semaphore_mem>>)
      %dma_wait3A_284 = arith.constant 0 : i32
      %dma_wait3A_285 = tpu.memref_slice %arg6[%run_scoped3A_10, %dma_wait3A_284] : memref<5x80xi32, #tpu.memory_space<vmem>> -> memref<1x80xi32, #tpu.memory_space<vmem>>
      %dma_wait3A_286 = tpu.memref_squeeze %dma_wait3A_285 : memref<1x80xi32, #tpu.memory_space<vmem>> -> memref<80xi32, #tpu.memory_space<vmem>>
      %dma_wait3A_287 = tpu.memref_slice %arg4[%add3A_9] : memref<12800xi32, #tpu.memory_space<hbm>> -> memref<80xi32, #tpu.memory_space<hbm>>
      %dma_wait3A_288 = arith.constant 0 : i32
      %dma_wait3A_289 = tpu.memref_slice %arg6[%run_scoped3A_10, %dma_wait3A_288] : memref<5x80xi32, #tpu.memory_space<vmem>> -> memref<1x80xi32, #tpu.memory_space<vmem>>
      %dma_wait3A_290 = tpu.memref_squeeze %dma_wait3A_289 : memref<1x80xi32, #tpu.memory_space<vmem>> -> memref<80xi32, #tpu.memory_space<vmem>>
      %dma_wait3A_291 = tpu.memref_slice %arg4[%add3A_9] : memref<12800xi32, #tpu.memory_space<hbm>> -> memref<80xi32, #tpu.memory_space<hbm>>
      tpu.wait_dma2 semaphore(%run_scoped3A_275 : memref<!tpu.dma_semaphore, #tpu.memory_space<semaphore_mem>>) src(%dma_wait3A_291 : memref<80xi32, #tpu.memory_space<hbm>>) dst(%dma_wait3A_290 : memref<80xi32, #tpu.memory_space<vmem>>)
      tpu.yield
    }) : () -> ()
    %add3A_11 = arith.constant 240 : i32
    %add3A_12 = arith.addi %mul3A_2, %add3A_11 : i32
    %run_scoped3A_13 = arith.constant 3 : i32
    "tpu.region"() ({
      %run_scoped3A_275 = tpu.sem_alloc : memref<!tpu.dma_semaphore, #tpu.memory_space<semaphore_mem>>
      %dma_start3A_276 = arith.constant 0 : i32
      %dma_start3A_277 = tpu.memref_slice %arg6[%run_scoped3A_13, %dma_start3A_276] : memref<5x80xi32, #tpu.memory_space<vmem>> -> memref<1x80xi32, #tpu.memory_space<vmem>>
      %dma_start3A_278 = tpu.memref_squeeze %dma_start3A_277 : memref<1x80xi32, #tpu.memory_space<vmem>> -> memref<80xi32, #tpu.memory_space<vmem>>
      %dma_start3A_279 = tpu.memref_slice %arg4[%add3A_12] : memref<12800xi32, #tpu.memory_space<hbm>> -> memref<80xi32, #tpu.memory_space<hbm>>
      %dma_start3A_280 = arith.constant 0 : i32
      %dma_start3A_281 = tpu.memref_slice %arg6[%run_scoped3A_13, %dma_start3A_280] : memref<5x80xi32, #tpu.memory_space<vmem>> -> memref<1x80xi32, #tpu.memory_space<vmem>>
      %dma_start3A_282 = tpu.memref_squeeze %dma_start3A_281 : memref<1x80xi32, #tpu.memory_space<vmem>> -> memref<80xi32, #tpu.memory_space<vmem>>
      %dma_start3A_283 = tpu.memref_slice %arg4[%add3A_12] : memref<12800xi32, #tpu.memory_space<hbm>> -> memref<80xi32, #tpu.memory_space<hbm>>
      tpu.enqueue_dma source(%dma_start3A_283 : memref<80xi32, #tpu.memory_space<hbm>>) target(%dma_start3A_282 : memref<80xi32, #tpu.memory_space<vmem>>) target_semaphore(%run_scoped3A_275 : memref<!tpu.dma_semaphore, #tpu.memory_space<semaphore_mem>>)
      %dma_wait3A_284 = arith.constant 0 : i32
      %dma_wait3A_285 = tpu.memref_slice %arg6[%run_scoped3A_13, %dma_wait3A_284] : memref<5x80xi32, #tpu.memory_space<vmem>> -> memref<1x80xi32, #tpu.memory_space<vmem>>
      %dma_wait3A_286 = tpu.memref_squeeze %dma_wait3A_285 : memref<1x80xi32, #tpu.memory_space<vmem>> -> memref<80xi32, #tpu.memory_space<vmem>>
      %dma_wait3A_287 = tpu.memref_slice %arg4[%add3A_12] : memref<12800xi32, #tpu.memory_space<hbm>> -> memref<80xi32, #tpu.memory_space<hbm>>
      %dma_wait3A_288 = arith.constant 0 : i32
      %dma_wait3A_289 = tpu.memref_slice %arg6[%run_scoped3A_13, %dma_wait3A_288] : memref<5x80xi32, #tpu.memory_space<vmem>> -> memref<1x80xi32, #tpu.memory_space<vmem>>
      %dma_wait3A_290 = tpu.memref_squeeze %dma_wait3A_289 : memref<1x80xi32, #tpu.memory_space<vmem>> -> memref<80xi32, #tpu.memory_space<vmem>>
      %dma_wait3A_291 = tpu.memref_slice %arg4[%add3A_12] : memref<12800xi32, #tpu.memory_space<hbm>> -> memref<80xi32, #tpu.memory_space<hbm>>
      tpu.wait_dma2 semaphore(%run_scoped3A_275 : memref<!tpu.dma_semaphore, #tpu.memory_space<semaphore_mem>>) src(%dma_wait3A_291 : memref<80xi32, #tpu.memory_space<hbm>>) dst(%dma_wait3A_290 : memref<80xi32, #tpu.memory_space<vmem>>)
      tpu.yield
    }) : () -> ()
    %add3A_14 = arith.constant 320 : i32
    %add3A_15 = arith.addi %mul3A_2, %add3A_14 : i32
    %run_scoped3A_16 = arith.constant 4 : i32
    "tpu.region"() ({
      %run_scoped3A_275 = tpu.sem_alloc : memref<!tpu.dma_semaphore, #tpu.memory_space<semaphore_mem>>
      %dma_start3A_276 = arith.constant 0 : i32
      %dma_start3A_277 = tpu.memref_slice %arg6[%run_scoped3A_16, %dma_start3A_276] : memref<5x80xi32, #tpu.memory_space<vmem>> -> memref<1x80xi32, #tpu.memory_space<vmem>>
      %dma_start3A_278 = tpu.memref_squeeze %dma_start3A_277 : memref<1x80xi32, #tpu.memory_space<vmem>> -> memref<80xi32, #tpu.memory_space<vmem>>
      %dma_start3A_279 = tpu.memref_slice %arg4[%add3A_15] : memref<12800xi32, #tpu.memory_space<hbm>> -> memref<80xi32, #tpu.memory_space<hbm>>
      %dma_start3A_280 = arith.constant 0 : i32
      %dma_start3A_281 = tpu.memref_slice %arg6[%run_scoped3A_16, %dma_start3A_280] : memref<5x80xi32, #tpu.memory_space<vmem>> -> memref<1x80xi32, #tpu.memory_space<vmem>>
      %dma_start3A_282 = tpu.memref_squeeze %dma_start3A_281 : memref<1x80xi32, #tpu.memory_space<vmem>> -> memref<80xi32, #tpu.memory_space<vmem>>
      %dma_start3A_283 = tpu.memref_slice %arg4[%add3A_15] : memref<12800xi32, #tpu.memory_space<hbm>> -> memref<80xi32, #tpu.memory_space<hbm>>
      tpu.enqueue_dma source(%dma_start3A_283 : memref<80xi32, #tpu.memory_space<hbm>>) target(%dma_start3A_282 : memref<80xi32, #tpu.memory_space<vmem>>) target_semaphore(%run_scoped3A_275 : memref<!tpu.dma_semaphore, #tpu.memory_space<semaphore_mem>>)
      %dma_wait3A_284 = arith.constant 0 : i32
      %dma_wait3A_285 = tpu.memref_slice %arg6[%run_scoped3A_16, %dma_wait3A_284] : memref<5x80xi32, #tpu.memory_space<vmem>> -> memref<1x80xi32, #tpu.memory_space<vmem>>
      %dma_wait3A_286 = tpu.memref_squeeze %dma_wait3A_285 : memref<1x80xi32, #tpu.memory_space<vmem>> -> memref<80xi32, #tpu.memory_space<vmem>>
      %dma_wait3A_287 = tpu.memref_slice %arg4[%add3A_15] : memref<12800xi32, #tpu.memory_space<hbm>> -> memref<80xi32, #tpu.memory_space<hbm>>
      %dma_wait3A_288 = arith.constant 0 : i32
      %dma_wait3A_289 = tpu.memref_slice %arg6[%run_scoped3A_16, %dma_wait3A_288] : memref<5x80xi32, #tpu.memory_space<vmem>> -> memref<1x80xi32, #tpu.memory_space<vmem>>
      %dma_wait3A_290 = tpu.memref_squeeze %dma_wait3A_289 : memref<1x80xi32, #tpu.memory_space<vmem>> -> memref<80xi32, #tpu.memory_space<vmem>>
      %dma_wait3A_291 = tpu.memref_slice %arg4[%add3A_15] : memref<12800xi32, #tpu.memory_space<hbm>> -> memref<80xi32, #tpu.memory_space<hbm>>
      tpu.wait_dma2 semaphore(%run_scoped3A_275 : memref<!tpu.dma_semaphore, #tpu.memory_space<semaphore_mem>>) src(%dma_wait3A_291 : memref<80xi32, #tpu.memory_space<hbm>>) dst(%dma_wait3A_290 : memref<80xi32, #tpu.memory_space<vmem>>)
      tpu.yield
    }) : () -> ()
    %dma_start3A = arith.constant 0 : i32
    %dma_start3A_17 = arith.constant 0 : i32
    %dma_start3A_18 = arith.constant 0 : i32
    %dma_start3A_19 = arith.constant 0 : i32
    %dma_start3A_20 = tpu.memref_slice %arg7[%dma_start3A_17, %dma_start3A_18, %dma_start3A_19] : memref<2x80x256xf32, #tpu.memory_space<vmem>> -> memref<1x80x256xf32, #tpu.memory_space<vmem>>
    %dma_start3A_21 = tpu.memref_squeeze %dma_start3A_20 : memref<1x80x256xf32, #tpu.memory_space<vmem>> -> memref<80x256xf32, #tpu.memory_space<vmem>>
    %dma_start3A_22 = arith.constant 0 : i32
    %dma_start3A_23 = tpu.memref_slice %arg6[%dma_start3A, %dma_start3A_22] : memref<5x80xi32, #tpu.memory_space<vmem>> -> memref<1x80xi32, #tpu.memory_space<vmem>>
    %dma_start3A_24 = tpu.memref_squeeze %dma_start3A_23 : memref<1x80xi32, #tpu.memory_space<vmem>> -> memref<80xi32, #tpu.memory_space<vmem>>
    %dma_start3A_25 = arith.constant 0 : i32
    %dma_start3A_26 = arith.constant 0 : i32
    %dma_start3A_27 = tpu.memref_slice %arg2[%dma_start3A_25, %dma_start3A_26] : memref<100001x300xf32, #tpu.memory_space<hbm>> -> memref<100001x256xf32, #tpu.memory_space<hbm>>
    tpu.enqueue_indirect_dma source(%dma_start3A_27 : memref<100001x256xf32, #tpu.memory_space<hbm>>) target(%dma_start3A_21 : memref<80x256xf32, #tpu.memory_space<vmem>>) offsets(%dma_start3A_24 : memref<80xi32, #tpu.memory_space<vmem>>) semaphore(%arg9 : memref<!tpu.dma_semaphore, #tpu.memory_space<semaphore_mem>>)
    %dma_start3A_28 = arith.constant 0 : i32
    %dma_start3A_29 = arith.constant 0 : i32
    %dma_start3A_30 = arith.constant 0 : i32
    %dma_start3A_31 = arith.constant 0 : i32
    %dma_start3A_32 = tpu.memref_slice %arg8[%dma_start3A_29, %dma_start3A_30, %dma_start3A_31] : memref<2x80x128xf32, #tpu.memory_space<vmem>> -> memref<1x80x128xf32, #tpu.memory_space<vmem>>
    %dma_start3A_33 = tpu.memref_squeeze %dma_start3A_32 : memref<1x80x128xf32, #tpu.memory_space<vmem>> -> memref<80x128xf32, #tpu.memory_space<vmem>>
    %dma_start3A_34 = arith.constant 0 : i32
    %dma_start3A_35 = tpu.memref_slice %arg6[%dma_start3A_28, %dma_start3A_34] : memref<5x80xi32, #tpu.memory_space<vmem>> -> memref<1x80xi32, #tpu.memory_space<vmem>>
    %dma_start3A_36 = tpu.memref_squeeze %dma_start3A_35 : memref<1x80xi32, #tpu.memory_space<vmem>> -> memref<80xi32, #tpu.memory_space<vmem>>
    %dma_start3A_37 = arith.constant 0 : i32
    %dma_start3A_38 = arith.constant 0 : i32
    %dma_start3A_39 = tpu.memref_slice %arg3[%dma_start3A_37, %dma_start3A_38] : memref<100001x128xf32, #tpu.memory_space<hbm>> -> memref<100001x128xf32, #tpu.memory_space<hbm>>
    tpu.enqueue_indirect_dma source(%dma_start3A_39 : memref<100001x128xf32, #tpu.memory_space<hbm>>) target(%dma_start3A_33 : memref<80x128xf32, #tpu.memory_space<vmem>>) offsets(%dma_start3A_36 : memref<80xi32, #tpu.memory_space<vmem>>) semaphore(%arg10 : memref<!tpu.dma_semaphore, #tpu.memory_space<semaphore_mem>>)
    %dma_wait3A = arith.constant 0 : i32
    %dma_wait3A_40 = arith.constant 0 : i32
    %dma_wait3A_41 = arith.constant 0 : i32
    %dma_wait3A_42 = arith.constant 0 : i32
    %dma_wait3A_43 = tpu.memref_slice %arg7[%dma_wait3A_40, %dma_wait3A_41, %dma_wait3A_42] : memref<2x80x256xf32, #tpu.memory_space<vmem>> -> memref<1x80x256xf32, #tpu.memory_space<vmem>>
    %dma_wait3A_44 = tpu.memref_squeeze %dma_wait3A_43 : memref<1x80x256xf32, #tpu.memory_space<vmem>> -> memref<80x256xf32, #tpu.memory_space<vmem>>
    %dma_wait3A_45 = arith.constant 0 : i32
    %dma_wait3A_46 = tpu.memref_slice %arg6[%dma_wait3A, %dma_wait3A_45] : memref<5x80xi32, #tpu.memory_space<vmem>> -> memref<1x80xi32, #tpu.memory_space<vmem>>
    %dma_wait3A_47 = tpu.memref_squeeze %dma_wait3A_46 : memref<1x80xi32, #tpu.memory_space<vmem>> -> memref<80xi32, #tpu.memory_space<vmem>>
    %dma_wait3A_48 = arith.constant 0 : i32
    %dma_wait3A_49 = arith.constant 0 : i32
    %dma_wait3A_50 = tpu.memref_slice %arg2[%dma_wait3A_48, %dma_wait3A_49] : memref<100001x300xf32, #tpu.memory_space<hbm>> -> memref<100001x256xf32, #tpu.memory_space<hbm>>
    tpu.wait_indirect_dma semaphore(%arg9 : memref<!tpu.dma_semaphore, #tpu.memory_space<semaphore_mem>>) src(%dma_wait3A_50 : memref<100001x256xf32, #tpu.memory_space<hbm>>) dst(%dma_wait3A_44 : memref<80x256xf32, #tpu.memory_space<vmem>>)
    %dma_wait3A_51 = arith.constant 0 : i32
    %dma_wait3A_52 = arith.constant 0 : i32
    %dma_wait3A_53 = arith.constant 0 : i32
    %dma_wait3A_54 = arith.constant 0 : i32
    %dma_wait3A_55 = tpu.memref_slice %arg8[%dma_wait3A_52, %dma_wait3A_53, %dma_wait3A_54] : memref<2x80x128xf32, #tpu.memory_space<vmem>> -> memref<1x80x128xf32, #tpu.memory_space<vmem>>
    %dma_wait3A_56 = tpu.memref_squeeze %dma_wait3A_55 : memref<1x80x128xf32, #tpu.memory_space<vmem>> -> memref<80x128xf32, #tpu.memory_space<vmem>>
    %dma_wait3A_57 = arith.constant 0 : i32
    %dma_wait3A_58 = tpu.memref_slice %arg6[%dma_wait3A_51, %dma_wait3A_57] : memref<5x80xi32, #tpu.memory_space<vmem>> -> memref<1x80xi32, #tpu.memory_space<vmem>>
    %dma_wait3A_59 = tpu.memref_squeeze %dma_wait3A_58 : memref<1x80xi32, #tpu.memory_space<vmem>> -> memref<80xi32, #tpu.memory_space<vmem>>
    %dma_wait3A_60 = arith.constant 0 : i32
    %dma_wait3A_61 = arith.constant 0 : i32
    %dma_wait3A_62 = tpu.memref_slice %arg3[%dma_wait3A_60, %dma_wait3A_61] : memref<100001x128xf32, #tpu.memory_space<hbm>> -> memref<100001x128xf32, #tpu.memory_space<hbm>>
    tpu.wait_indirect_dma semaphore(%arg10 : memref<!tpu.dma_semaphore, #tpu.memory_space<semaphore_mem>>) src(%dma_wait3A_62 : memref<100001x128xf32, #tpu.memory_space<hbm>>) dst(%dma_wait3A_56 : memref<80x128xf32, #tpu.memory_space<vmem>>)
    %add3A_63 = arith.constant 0 : i32
    %add3A_64 = arith.addi %mul3A_2, %add3A_63 : i32
    %run_scoped3A_65 = arith.constant 0 : i32
    "tpu.region"() ({
      %run_scoped3A_275 = tpu.sem_alloc : memref<!tpu.dma_semaphore, #tpu.memory_space<semaphore_mem>>
      %dma_start3A_276 = arith.constant 0 : i32
      %dma_start3A_277 = arith.constant 0 : i32
      %dma_start3A_278 = tpu.memref_slice %arg7[%run_scoped3A_65, %dma_start3A_276, %dma_start3A_277] : memref<2x80x256xf32, #tpu.memory_space<vmem>> -> memref<1x80x256xf32, #tpu.memory_space<vmem>>
      %dma_start3A_279 = tpu.memref_squeeze %dma_start3A_278 : memref<1x80x256xf32, #tpu.memory_space<vmem>> -> memref<80x256xf32, #tpu.memory_space<vmem>>
      %dma_start3A_280 = arith.constant 0 : i32
      %dma_start3A_281 = tpu.memref_slice %arg5[%add3A_64, %dma_start3A_280] : memref<12800x384xf32, #tpu.memory_space<hbm>> -> memref<80x256xf32, #tpu.memory_space<hbm>>
      %dma_start3A_282 = arith.constant 0 : i32
      %dma_start3A_283 = tpu.memref_slice %arg5[%add3A_64, %dma_start3A_282] : memref<12800x384xf32, #tpu.memory_space<hbm>> -> memref<80x256xf32, #tpu.memory_space<hbm>>
      %dma_start3A_284 = arith.constant 0 : i32
      %dma_start3A_285 = arith.constant 0 : i32
      %dma_start3A_286 = tpu.memref_slice %arg7[%run_scoped3A_65, %dma_start3A_284, %dma_start3A_285] : memref<2x80x256xf32, #tpu.memory_space<vmem>> -> memref<1x80x256xf32, #tpu.memory_space<vmem>>
      %dma_start3A_287 = tpu.memref_squeeze %dma_start3A_286 : memref<1x80x256xf32, #tpu.memory_space<vmem>> -> memref<80x256xf32, #tpu.memory_space<vmem>>
      tpu.enqueue_dma source(%dma_start3A_287 : memref<80x256xf32, #tpu.memory_space<vmem>>) target(%dma_start3A_283 : memref<80x256xf32, #tpu.memory_space<hbm>>) target_semaphore(%run_scoped3A_275 : memref<!tpu.dma_semaphore, #tpu.memory_space<semaphore_mem>>)
      %dma_wait3A_288 = arith.constant 0 : i32
      %dma_wait3A_289 = arith.constant 0 : i32
      %dma_wait3A_290 = tpu.memref_slice %arg7[%run_scoped3A_65, %dma_wait3A_288, %dma_wait3A_289] : memref<2x80x256xf32, #tpu.memory_space<vmem>> -> memref<1x80x256xf32, #tpu.memory_space<vmem>>
      %dma_wait3A_291 = tpu.memref_squeeze %dma_wait3A_290 : memref<1x80x256xf32, #tpu.memory_space<vmem>> -> memref<80x256xf32, #tpu.memory_space<vmem>>
      %dma_wait3A_292 = arith.constant 0 : i32
      %dma_wait3A_293 = tpu.memref_slice %arg5[%add3A_64, %dma_wait3A_292] : memref<12800x384xf32, #tpu.memory_space<hbm>> -> memref<80x256xf32, #tpu.memory_space<hbm>>
      %dma_wait3A_294 = arith.constant 0 : i32
      %dma_wait3A_295 = tpu.memref_slice %arg5[%add3A_64, %dma_wait3A_294] : memref<12800x384xf32, #tpu.memory_space<hbm>> -> memref<80x256xf32, #tpu.memory_space<hbm>>
      %dma_wait3A_296 = arith.constant 0 : i32
      %dma_wait3A_297 = arith.constant 0 : i32
      %dma_wait3A_298 = tpu.memref_slice %arg7[%run_scoped3A_65, %dma_wait3A_296, %dma_wait3A_297] : memref<2x80x256xf32, #tpu.memory_space<vmem>> -> memref<1x80x256xf32, #tpu.memory_space<vmem>>
      %dma_wait3A_299 = tpu.memref_squeeze %dma_wait3A_298 : memref<1x80x256xf32, #tpu.memory_space<vmem>> -> memref<80x256xf32, #tpu.memory_space<vmem>>
      tpu.wait_dma2 semaphore(%run_scoped3A_275 : memref<!tpu.dma_semaphore, #tpu.memory_space<semaphore_mem>>) src(%dma_wait3A_299 : memref<80x256xf32, #tpu.memory_space<vmem>>) dst(%dma_wait3A_295 : memref<80x256xf32, #tpu.memory_space<hbm>>)
      tpu.yield
    }) : () -> ()
    %run_scoped3A_66 = arith.constant 0 : i32
    "tpu.region"() ({
      %run_scoped3A_275 = tpu.sem_alloc : memref<!tpu.dma_semaphore, #tpu.memory_space<semaphore_mem>>
      %dma_start3A_276 = arith.constant 0 : i32
      %dma_start3A_277 = arith.constant 0 : i32
      %dma_start3A_278 = tpu.memref_slice %arg8[%run_scoped3A_66, %dma_start3A_276, %dma_start3A_277] : memref<2x80x128xf32, #tpu.memory_space<vmem>> -> memref<1x80x128xf32, #tpu.memory_space<vmem>>
      %dma_start3A_279 = tpu.memref_squeeze %dma_start3A_278 : memref<1x80x128xf32, #tpu.memory_space<vmem>> -> memref<80x128xf32, #tpu.memory_space<vmem>>
      %dma_start3A_280 = arith.constant 256 : i32
      %dma_start3A_281 = tpu.memref_slice %arg5[%add3A_64, %dma_start3A_280] : memref<12800x384xf32, #tpu.memory_space<hbm>> -> memref<80x128xf32, #tpu.memory_space<hbm>>
      %dma_start3A_282 = arith.constant 256 : i32
      %dma_start3A_283 = tpu.memref_slice %arg5[%add3A_64, %dma_start3A_282] : memref<12800x384xf32, #tpu.memory_space<hbm>> -> memref<80x128xf32, #tpu.memory_space<hbm>>
      %dma_start3A_284 = arith.constant 0 : i32
      %dma_start3A_285 = arith.constant 0 : i32
      %dma_start3A_286 = tpu.memref_slice %arg8[%run_scoped3A_66, %dma_start3A_284, %dma_start3A_285] : memref<2x80x128xf32, #tpu.memory_space<vmem>> -> memref<1x80x128xf32, #tpu.memory_space<vmem>>
      %dma_start3A_287 = tpu.memref_squeeze %dma_start3A_286 : memref<1x80x128xf32, #tpu.memory_space<vmem>> -> memref<80x128xf32, #tpu.memory_space<vmem>>
      tpu.enqueue_dma source(%dma_start3A_287 : memref<80x128xf32, #tpu.memory_space<vmem>>) target(%dma_start3A_283 : memref<80x128xf32, #tpu.memory_space<hbm>>) target_semaphore(%run_scoped3A_275 : memref<!tpu.dma_semaphore, #tpu.memory_space<semaphore_mem>>)
      %dma_wait3A_288 = arith.constant 0 : i32
      %dma_wait3A_289 = arith.constant 0 : i32
      %dma_wait3A_290 = tpu.memref_slice %arg8[%run_scoped3A_66, %dma_wait3A_288, %dma_wait3A_289] : memref<2x80x128xf32, #tpu.memory_space<vmem>> -> memref<1x80x128xf32, #tpu.memory_space<vmem>>
      %dma_wait3A_291 = tpu.memref_squeeze %dma_wait3A_290 : memref<1x80x128xf32, #tpu.memory_space<vmem>> -> memref<80x128xf32, #tpu.memory_space<vmem>>
      %dma_wait3A_292 = arith.constant 256 : i32
      %dma_wait3A_293 = tpu.memref_slice %arg5[%add3A_64, %dma_wait3A_292] : memref<12800x384xf32, #tpu.memory_space<hbm>> -> memref<80x128xf32, #tpu.memory_space<hbm>>
      %dma_wait3A_294 = arith.constant 256 : i32
      %dma_wait3A_295 = tpu.memref_slice %arg5[%add3A_64, %dma_wait3A_294] : memref<12800x384xf32, #tpu.memory_space<hbm>> -> memref<80x128xf32, #tpu.memory_space<hbm>>
      %dma_wait3A_296 = arith.constant 0 : i32
      %dma_wait3A_297 = arith.constant 0 : i32
      %dma_wait3A_298 = tpu.memref_slice %arg8[%run_scoped3A_66, %dma_wait3A_296, %dma_wait3A_297] : memref<2x80x128xf32, #tpu.memory_space<vmem>> -> memref<1x80x128xf32, #tpu.memory_space<vmem>>
      %dma_wait3A_299 = tpu.memref_squeeze %dma_wait3A_298 : memref<1x80x128xf32, #tpu.memory_space<vmem>> -> memref<80x128xf32, #tpu.memory_space<vmem>>
      tpu.wait_dma2 semaphore(%run_scoped3A_275 : memref<!tpu.dma_semaphore, #tpu.memory_space<semaphore_mem>>) src(%dma_wait3A_299 : memref<80x128xf32, #tpu.memory_space<vmem>>) dst(%dma_wait3A_295 : memref<80x128xf32, #tpu.memory_space<hbm>>)
      tpu.yield
    }) : () -> ()
    %dma_start3A_67 = arith.constant 1 : i32
    %dma_start3A_68 = arith.constant 1 : i32
    %dma_start3A_69 = arith.constant 0 : i32
    %dma_start3A_70 = arith.constant 0 : i32
    %dma_start3A_71 = tpu.memref_slice %arg7[%dma_start3A_68, %dma_start3A_69, %dma_start3A_70] : memref<2x80x256xf32, #tpu.memory_space<vmem>> -> memref<1x80x256xf32, #tpu.memory_space<vmem>>
    %dma_start3A_72 = tpu.memref_squeeze %dma_start3A_71 : memref<1x80x256xf32, #tpu.memory_space<vmem>> -> memref<80x256xf32, #tpu.memory_space<vmem>>
    %dma_start3A_73 = arith.constant 0 : i32
    %dma_start3A_74 = tpu.memref_slice %arg6[%dma_start3A_67, %dma_start3A_73] : memref<5x80xi32, #tpu.memory_space<vmem>> -> memref<1x80xi32, #tpu.memory_space<vmem>>
    %dma_start3A_75 = tpu.memref_squeeze %dma_start3A_74 : memref<1x80xi32, #tpu.memory_space<vmem>> -> memref<80xi32, #tpu.memory_space<vmem>>
    %dma_start3A_76 = arith.constant 0 : i32
    %dma_start3A_77 = arith.constant 0 : i32
    %dma_start3A_78 = tpu.memref_slice %arg2[%dma_start3A_76, %dma_start3A_77] : memref<100001x300xf32, #tpu.memory_space<hbm>> -> memref<100001x256xf32, #tpu.memory_space<hbm>>
    tpu.enqueue_indirect_dma source(%dma_start3A_78 : memref<100001x256xf32, #tpu.memory_space<hbm>>) target(%dma_start3A_72 : memref<80x256xf32, #tpu.memory_space<vmem>>) offsets(%dma_start3A_75 : memref<80xi32, #tpu.memory_space<vmem>>) semaphore(%arg9 : memref<!tpu.dma_semaphore, #tpu.memory_space<semaphore_mem>>)
    %dma_start3A_79 = arith.constant 1 : i32
    %dma_start3A_80 = arith.constant 1 : i32
    %dma_start3A_81 = arith.constant 0 : i32
    %dma_start3A_82 = arith.constant 0 : i32
    %dma_start3A_83 = tpu.memref_slice %arg8[%dma_start3A_80, %dma_start3A_81, %dma_start3A_82] : memref<2x80x128xf32, #tpu.memory_space<vmem>> -> memref<1x80x128xf32, #tpu.memory_space<vmem>>
    %dma_start3A_84 = tpu.memref_squeeze %dma_start3A_83 : memref<1x80x128xf32, #tpu.memory_space<vmem>> -> memref<80x128xf32, #tpu.memory_space<vmem>>
    %dma_start3A_85 = arith.constant 0 : i32
    %dma_start3A_86 = tpu.memref_slice %arg6[%dma_start3A_79, %dma_start3A_85] : memref<5x80xi32, #tpu.memory_space<vmem>> -> memref<1x80xi32, #tpu.memory_space<vmem>>
    %dma_start3A_87 = tpu.memref_squeeze %dma_start3A_86 : memref<1x80xi32, #tpu.memory_space<vmem>> -> memref<80xi32, #tpu.memory_space<vmem>>
    %dma_start3A_88 = arith.constant 0 : i32
    %dma_start3A_89 = arith.constant 0 : i32
    %dma_start3A_90 = tpu.memref_slice %arg3[%dma_start3A_88, %dma_start3A_89] : memref<100001x128xf32, #tpu.memory_space<hbm>> -> memref<100001x128xf32, #tpu.memory_space<hbm>>
    tpu.enqueue_indirect_dma source(%dma_start3A_90 : memref<100001x128xf32, #tpu.memory_space<hbm>>) target(%dma_start3A_84 : memref<80x128xf32, #tpu.memory_space<vmem>>) offsets(%dma_start3A_87 : memref<80xi32, #tpu.memory_space<vmem>>) semaphore(%arg10 : memref<!tpu.dma_semaphore, #tpu.memory_space<semaphore_mem>>)
    %dma_wait3A_91 = arith.constant 1 : i32
    %dma_wait3A_92 = arith.constant 1 : i32
    %dma_wait3A_93 = arith.constant 0 : i32
    %dma_wait3A_94 = arith.constant 0 : i32
    %dma_wait3A_95 = tpu.memref_slice %arg7[%dma_wait3A_92, %dma_wait3A_93, %dma_wait3A_94] : memref<2x80x256xf32, #tpu.memory_space<vmem>> -> memref<1x80x256xf32, #tpu.memory_space<vmem>>
    %dma_wait3A_96 = tpu.memref_squeeze %dma_wait3A_95 : memref<1x80x256xf32, #tpu.memory_space<vmem>> -> memref<80x256xf32, #tpu.memory_space<vmem>>
    %dma_wait3A_97 = arith.constant 0 : i32
    %dma_wait3A_98 = tpu.memref_slice %arg6[%dma_wait3A_91, %dma_wait3A_97] : memref<5x80xi32, #tpu.memory_space<vmem>> -> memref<1x80xi32, #tpu.memory_space<vmem>>
    %dma_wait3A_99 = tpu.memref_squeeze %dma_wait3A_98 : memref<1x80xi32, #tpu.memory_space<vmem>> -> memref<80xi32, #tpu.memory_space<vmem>>
    %dma_wait3A_100 = arith.constant 0 : i32
    %dma_wait3A_101 = arith.constant 0 : i32
    %dma_wait3A_102 = tpu.memref_slice %arg2[%dma_wait3A_100, %dma_wait3A_101] : memref<100001x300xf32, #tpu.memory_space<hbm>> -> memref<100001x256xf32, #tpu.memory_space<hbm>>
    tpu.wait_indirect_dma semaphore(%arg9 : memref<!tpu.dma_semaphore, #tpu.memory_space<semaphore_mem>>) src(%dma_wait3A_102 : memref<100001x256xf32, #tpu.memory_space<hbm>>) dst(%dma_wait3A_96 : memref<80x256xf32, #tpu.memory_space<vmem>>)
    %dma_wait3A_103 = arith.constant 1 : i32
    %dma_wait3A_104 = arith.constant 1 : i32
    %dma_wait3A_105 = arith.constant 0 : i32
    %dma_wait3A_106 = arith.constant 0 : i32
    %dma_wait3A_107 = tpu.memref_slice %arg8[%dma_wait3A_104, %dma_wait3A_105, %dma_wait3A_106] : memref<2x80x128xf32, #tpu.memory_space<vmem>> -> memref<1x80x128xf32, #tpu.memory_space<vmem>>
    %dma_wait3A_108 = tpu.memref_squeeze %dma_wait3A_107 : memref<1x80x128xf32, #tpu.memory_space<vmem>> -> memref<80x128xf32, #tpu.memory_space<vmem>>
    %dma_wait3A_109 = arith.constant 0 : i32
    %dma_wait3A_110 = tpu.memref_slice %arg6[%dma_wait3A_103, %dma_wait3A_109] : memref<5x80xi32, #tpu.memory_space<vmem>> -> memref<1x80xi32, #tpu.memory_space<vmem>>
    %dma_wait3A_111 = tpu.memref_squeeze %dma_wait3A_110 : memref<1x80xi32, #tpu.memory_space<vmem>> -> memref<80xi32, #tpu.memory_space<vmem>>
    %dma_wait3A_112 = arith.constant 0 : i32
    %dma_wait3A_113 = arith.constant 0 : i32
    %dma_wait3A_114 = tpu.memref_slice %arg3[%dma_wait3A_112, %dma_wait3A_113] : memref<100001x128xf32, #tpu.memory_space<hbm>> -> memref<100001x128xf32, #tpu.memory_space<hbm>>
    tpu.wait_indirect_dma semaphore(%arg10 : memref<!tpu.dma_semaphore, #tpu.memory_space<semaphore_mem>>) src(%dma_wait3A_114 : memref<100001x128xf32, #tpu.memory_space<hbm>>) dst(%dma_wait3A_108 : memref<80x128xf32, #tpu.memory_space<vmem>>)
    %add3A_115 = arith.constant 80 : i32
    %add3A_116 = arith.addi %mul3A_2, %add3A_115 : i32
    %run_scoped3A_117 = arith.constant 1 : i32
    "tpu.region"() ({
      %run_scoped3A_275 = tpu.sem_alloc : memref<!tpu.dma_semaphore, #tpu.memory_space<semaphore_mem>>
      %dma_start3A_276 = arith.constant 0 : i32
      %dma_start3A_277 = arith.constant 0 : i32
      %dma_start3A_278 = tpu.memref_slice %arg7[%run_scoped3A_117, %dma_start3A_276, %dma_start3A_277] : memref<2x80x256xf32, #tpu.memory_space<vmem>> -> memref<1x80x256xf32, #tpu.memory_space<vmem>>
      %dma_start3A_279 = tpu.memref_squeeze %dma_start3A_278 : memref<1x80x256xf32, #tpu.memory_space<vmem>> -> memref<80x256xf32, #tpu.memory_space<vmem>>
      %dma_start3A_280 = arith.constant 0 : i32
      %dma_start3A_281 = tpu.memref_slice %arg5[%add3A_116, %dma_start3A_280] : memref<12800x384xf32, #tpu.memory_space<hbm>> -> memref<80x256xf32, #tpu.memory_space<hbm>>
      %dma_start3A_282 = arith.constant 0 : i32
      %dma_start3A_283 = tpu.memref_slice %arg5[%add3A_116, %dma_start3A_282] : memref<12800x384xf32, #tpu.memory_space<hbm>> -> memref<80x256xf32, #tpu.memory_space<hbm>>
      %dma_start3A_284 = arith.constant 0 : i32
      %dma_start3A_285 = arith.constant 0 : i32
      %dma_start3A_286 = tpu.memref_slice %arg7[%run_scoped3A_117, %dma_start3A_284, %dma_start3A_285] : memref<2x80x256xf32, #tpu.memory_space<vmem>> -> memref<1x80x256xf32, #tpu.memory_space<vmem>>
      %dma_start3A_287 = tpu.memref_squeeze %dma_start3A_286 : memref<1x80x256xf32, #tpu.memory_space<vmem>> -> memref<80x256xf32, #tpu.memory_space<vmem>>
      tpu.enqueue_dma source(%dma_start3A_287 : memref<80x256xf32, #tpu.memory_space<vmem>>) target(%dma_start3A_283 : memref<80x256xf32, #tpu.memory_space<hbm>>) target_semaphore(%run_scoped3A_275 : memref<!tpu.dma_semaphore, #tpu.memory_space<semaphore_mem>>)
      %dma_wait3A_288 = arith.constant 0 : i32
      %dma_wait3A_289 = arith.constant 0 : i32
      %dma_wait3A_290 = tpu.memref_slice %arg7[%run_scoped3A_117, %dma_wait3A_288, %dma_wait3A_289] : memref<2x80x256xf32, #tpu.memory_space<vmem>> -> memref<1x80x256xf32, #tpu.memory_space<vmem>>
      %dma_wait3A_291 = tpu.memref_squeeze %dma_wait3A_290 : memref<1x80x256xf32, #tpu.memory_space<vmem>> -> memref<80x256xf32, #tpu.memory_space<vmem>>
      %dma_wait3A_292 = arith.constant 0 : i32
      %dma_wait3A_293 = tpu.memref_slice %arg5[%add3A_116, %dma_wait3A_292] : memref<12800x384xf32, #tpu.memory_space<hbm>> -> memref<80x256xf32, #tpu.memory_space<hbm>>
      %dma_wait3A_294 = arith.constant 0 : i32
      %dma_wait3A_295 = tpu.memref_slice %arg5[%add3A_116, %dma_wait3A_294] : memref<12800x384xf32, #tpu.memory_space<hbm>> -> memref<80x256xf32, #tpu.memory_space<hbm>>
      %dma_wait3A_296 = arith.constant 0 : i32
      %dma_wait3A_297 = arith.constant 0 : i32
      %dma_wait3A_298 = tpu.memref_slice %arg7[%run_scoped3A_117, %dma_wait3A_296, %dma_wait3A_297] : memref<2x80x256xf32, #tpu.memory_space<vmem>> -> memref<1x80x256xf32, #tpu.memory_space<vmem>>
      %dma_wait3A_299 = tpu.memref_squeeze %dma_wait3A_298 : memref<1x80x256xf32, #tpu.memory_space<vmem>> -> memref<80x256xf32, #tpu.memory_space<vmem>>
      tpu.wait_dma2 semaphore(%run_scoped3A_275 : memref<!tpu.dma_semaphore, #tpu.memory_space<semaphore_mem>>) src(%dma_wait3A_299 : memref<80x256xf32, #tpu.memory_space<vmem>>) dst(%dma_wait3A_295 : memref<80x256xf32, #tpu.memory_space<hbm>>)
      tpu.yield
    }) : () -> ()
    %run_scoped3A_118 = arith.constant 1 : i32
    "tpu.region"() ({
      %run_scoped3A_275 = tpu.sem_alloc : memref<!tpu.dma_semaphore, #tpu.memory_space<semaphore_mem>>
      %dma_start3A_276 = arith.constant 0 : i32
      %dma_start3A_277 = arith.constant 0 : i32
      %dma_start3A_278 = tpu.memref_slice %arg8[%run_scoped3A_118, %dma_start3A_276, %dma_start3A_277] : memref<2x80x128xf32, #tpu.memory_space<vmem>> -> memref<1x80x128xf32, #tpu.memory_space<vmem>>
      %dma_start3A_279 = tpu.memref_squeeze %dma_start3A_278 : memref<1x80x128xf32, #tpu.memory_space<vmem>> -> memref<80x128xf32, #tpu.memory_space<vmem>>
      %dma_start3A_280 = arith.constant 256 : i32
      %dma_start3A_281 = tpu.memref_slice %arg5[%add3A_116, %dma_start3A_280] : memref<12800x384xf32, #tpu.memory_space<hbm>> -> memref<80x128xf32, #tpu.memory_space<hbm>>
      %dma_start3A_282 = arith.constant 256 : i32
      %dma_start3A_283 = tpu.memref_slice %arg5[%add3A_116, %dma_start3A_282] : memref<12800x384xf32, #tpu.memory_space<hbm>> -> memref<80x128xf32, #tpu.memory_space<hbm>>
      %dma_start3A_284 = arith.constant 0 : i32
      %dma_start3A_285 = arith.constant 0 : i32
      %dma_start3A_286 = tpu.memref_slice %arg8[%run_scoped3A_118, %dma_start3A_284, %dma_start3A_285] : memref<2x80x128xf32, #tpu.memory_space<vmem>> -> memref<1x80x128xf32, #tpu.memory_space<vmem>>
      %dma_start3A_287 = tpu.memref_squeeze %dma_start3A_286 : memref<1x80x128xf32, #tpu.memory_space<vmem>> -> memref<80x128xf32, #tpu.memory_space<vmem>>
      tpu.enqueue_dma source(%dma_start3A_287 : memref<80x128xf32, #tpu.memory_space<vmem>>) target(%dma_start3A_283 : memref<80x128xf32, #tpu.memory_space<hbm>>) target_semaphore(%run_scoped3A_275 : memref<!tpu.dma_semaphore, #tpu.memory_space<semaphore_mem>>)
      %dma_wait3A_288 = arith.constant 0 : i32
      %dma_wait3A_289 = arith.constant 0 : i32
      %dma_wait3A_290 = tpu.memref_slice %arg8[%run_scoped3A_118, %dma_wait3A_288, %dma_wait3A_289] : memref<2x80x128xf32, #tpu.memory_space<vmem>> -> memref<1x80x128xf32, #tpu.memory_space<vmem>>
      %dma_wait3A_291 = tpu.memref_squeeze %dma_wait3A_290 : memref<1x80x128xf32, #tpu.memory_space<vmem>> -> memref<80x128xf32, #tpu.memory_space<vmem>>
      %dma_wait3A_292 = arith.constant 256 : i32
      %dma_wait3A_293 = tpu.memref_slice %arg5[%add3A_116, %dma_wait3A_292] : memref<12800x384xf32, #tpu.memory_space<hbm>> -> memref<80x128xf32, #tpu.memory_space<hbm>>
      %dma_wait3A_294 = arith.constant 256 : i32
      %dma_wait3A_295 = tpu.memref_slice %arg5[%add3A_116, %dma_wait3A_294] : memref<12800x384xf32, #tpu.memory_space<hbm>> -> memref<80x128xf32, #tpu.memory_space<hbm>>
      %dma_wait3A_296 = arith.constant 0 : i32
      %dma_wait3A_297 = arith.constant 0 : i32
      %dma_wait3A_298 = tpu.memref_slice %arg8[%run_scoped3A_118, %dma_wait3A_296, %dma_wait3A_297] : memref<2x80x128xf32, #tpu.memory_space<vmem>> -> memref<1x80x128xf32, #tpu.memory_space<vmem>>
      %dma_wait3A_299 = tpu.memref_squeeze %dma_wait3A_298 : memref<1x80x128xf32, #tpu.memory_space<vmem>> -> memref<80x128xf32, #tpu.memory_space<vmem>>
      tpu.wait_dma2 semaphore(%run_scoped3A_275 : memref<!tpu.dma_semaphore, #tpu.memory_space<semaphore_mem>>) src(%dma_wait3A_299 : memref<80x128xf32, #tpu.memory_space<vmem>>) dst(%dma_wait3A_295 : memref<80x128xf32, #tpu.memory_space<hbm>>)
      tpu.yield
    }) : () -> ()
    %dma_start3A_119 = arith.constant 2 : i32
    %dma_start3A_120 = arith.constant 0 : i32
    %dma_start3A_121 = arith.constant 0 : i32
    %dma_start3A_122 = arith.constant 0 : i32
    %dma_start3A_123 = tpu.memref_slice %arg7[%dma_start3A_120, %dma_start3A_121, %dma_start3A_122] : memref<2x80x256xf32, #tpu.memory_space<vmem>> -> memref<1x80x256xf32, #tpu.memory_space<vmem>>
    %dma_start3A_124 = tpu.memref_squeeze %dma_start3A_123 : memref<1x80x256xf32, #tpu.memory_space<vmem>> -> memref<80x256xf32, #tpu.memory_space<vmem>>
    %dma_start3A_125 = arith.constant 0 : i32
    %dma_start3A_126 = tpu.memref_slice %arg6[%dma_start3A_119, %dma_start3A_125] : memref<5x80xi32, #tpu.memory_space<vmem>> -> memref<1x80xi32, #tpu.memory_space<vmem>>
    %dma_start3A_127 = tpu.memref_squeeze %dma_start3A_126 : memref<1x80xi32, #tpu.memory_space<vmem>> -> memref<80xi32, #tpu.memory_space<vmem>>
    %dma_start3A_128 = arith.constant 0 : i32
    %dma_start3A_129 = arith.constant 0 : i32
    %dma_start3A_130 = tpu.memref_slice %arg2[%dma_start3A_128, %dma_start3A_129] : memref<100001x300xf32, #tpu.memory_space<hbm>> -> memref<100001x256xf32, #tpu.memory_space<hbm>>
    tpu.enqueue_indirect_dma source(%dma_start3A_130 : memref<100001x256xf32, #tpu.memory_space<hbm>>) target(%dma_start3A_124 : memref<80x256xf32, #tpu.memory_space<vmem>>) offsets(%dma_start3A_127 : memref<80xi32, #tpu.memory_space<vmem>>) semaphore(%arg9 : memref<!tpu.dma_semaphore, #tpu.memory_space<semaphore_mem>>)
    %dma_start3A_131 = arith.constant 2 : i32
    %dma_start3A_132 = arith.constant 0 : i32
    %dma_start3A_133 = arith.constant 0 : i32
    %dma_start3A_134 = arith.constant 0 : i32
    %dma_start3A_135 = tpu.memref_slice %arg8[%dma_start3A_132, %dma_start3A_133, %dma_start3A_134] : memref<2x80x128xf32, #tpu.memory_space<vmem>> -> memref<1x80x128xf32, #tpu.memory_space<vmem>>
    %dma_start3A_136 = tpu.memref_squeeze %dma_start3A_135 : memref<1x80x128xf32, #tpu.memory_space<vmem>> -> memref<80x128xf32, #tpu.memory_space<vmem>>
    %dma_start3A_137 = arith.constant 0 : i32
    %dma_start3A_138 = tpu.memref_slice %arg6[%dma_start3A_131, %dma_start3A_137] : memref<5x80xi32, #tpu.memory_space<vmem>> -> memref<1x80xi32, #tpu.memory_space<vmem>>
    %dma_start3A_139 = tpu.memref_squeeze %dma_start3A_138 : memref<1x80xi32, #tpu.memory_space<vmem>> -> memref<80xi32, #tpu.memory_space<vmem>>
    %dma_start3A_140 = arith.constant 0 : i32
    %dma_start3A_141 = arith.constant 0 : i32
    %dma_start3A_142 = tpu.memref_slice %arg3[%dma_start3A_140, %dma_start3A_141] : memref<100001x128xf32, #tpu.memory_space<hbm>> -> memref<100001x128xf32, #tpu.memory_space<hbm>>
    tpu.enqueue_indirect_dma source(%dma_start3A_142 : memref<100001x128xf32, #tpu.memory_space<hbm>>) target(%dma_start3A_136 : memref<80x128xf32, #tpu.memory_space<vmem>>) offsets(%dma_start3A_139 : memref<80xi32, #tpu.memory_space<vmem>>) semaphore(%arg10 : memref<!tpu.dma_semaphore, #tpu.memory_space<semaphore_mem>>)
    %dma_wait3A_143 = arith.constant 2 : i32
    %dma_wait3A_144 = arith.constant 0 : i32
    %dma_wait3A_145 = arith.constant 0 : i32
    %dma_wait3A_146 = arith.constant 0 : i32
    %dma_wait3A_147 = tpu.memref_slice %arg7[%dma_wait3A_144, %dma_wait3A_145, %dma_wait3A_146] : memref<2x80x256xf32, #tpu.memory_space<vmem>> -> memref<1x80x256xf32, #tpu.memory_space<vmem>>
    %dma_wait3A_148 = tpu.memref_squeeze %dma_wait3A_147 : memref<1x80x256xf32, #tpu.memory_space<vmem>> -> memref<80x256xf32, #tpu.memory_space<vmem>>
    %dma_wait3A_149 = arith.constant 0 : i32
    %dma_wait3A_150 = tpu.memref_slice %arg6[%dma_wait3A_143, %dma_wait3A_149] : memref<5x80xi32, #tpu.memory_space<vmem>> -> memref<1x80xi32, #tpu.memory_space<vmem>>
    %dma_wait3A_151 = tpu.memref_squeeze %dma_wait3A_150 : memref<1x80xi32, #tpu.memory_space<vmem>> -> memref<80xi32, #tpu.memory_space<vmem>>
    %dma_wait3A_152 = arith.constant 0 : i32
    %dma_wait3A_153 = arith.constant 0 : i32
    %dma_wait3A_154 = tpu.memref_slice %arg2[%dma_wait3A_152, %dma_wait3A_153] : memref<100001x300xf32, #tpu.memory_space<hbm>> -> memref<100001x256xf32, #tpu.memory_space<hbm>>
    tpu.wait_indirect_dma semaphore(%arg9 : memref<!tpu.dma_semaphore, #tpu.memory_space<semaphore_mem>>) src(%dma_wait3A_154 : memref<100001x256xf32, #tpu.memory_space<hbm>>) dst(%dma_wait3A_148 : memref<80x256xf32, #tpu.memory_space<vmem>>)
    %dma_wait3A_155 = arith.constant 2 : i32
    %dma_wait3A_156 = arith.constant 0 : i32
    %dma_wait3A_157 = arith.constant 0 : i32
    %dma_wait3A_158 = arith.constant 0 : i32
    %dma_wait3A_159 = tpu.memref_slice %arg8[%dma_wait3A_156, %dma_wait3A_157, %dma_wait3A_158] : memref<2x80x128xf32, #tpu.memory_space<vmem>> -> memref<1x80x128xf32, #tpu.memory_space<vmem>>
    %dma_wait3A_160 = tpu.memref_squeeze %dma_wait3A_159 : memref<1x80x128xf32, #tpu.memory_space<vmem>> -> memref<80x128xf32, #tpu.memory_space<vmem>>
    %dma_wait3A_161 = arith.constant 0 : i32
    %dma_wait3A_162 = tpu.memref_slice %arg6[%dma_wait3A_155, %dma_wait3A_161] : memref<5x80xi32, #tpu.memory_space<vmem>> -> memref<1x80xi32, #tpu.memory_space<vmem>>
    %dma_wait3A_163 = tpu.memref_squeeze %dma_wait3A_162 : memref<1x80xi32, #tpu.memory_space<vmem>> -> memref<80xi32, #tpu.memory_space<vmem>>
    %dma_wait3A_164 = arith.constant 0 : i32
    %dma_wait3A_165 = arith.constant 0 : i32
    %dma_wait3A_166 = tpu.memref_slice %arg3[%dma_wait3A_164, %dma_wait3A_165] : memref<100001x128xf32, #tpu.memory_space<hbm>> -> memref<100001x128xf32, #tpu.memory_space<hbm>>
    tpu.wait_indirect_dma semaphore(%arg10 : memref<!tpu.dma_semaphore, #tpu.memory_space<semaphore_mem>>) src(%dma_wait3A_166 : memref<100001x128xf32, #tpu.memory_space<hbm>>) dst(%dma_wait3A_160 : memref<80x128xf32, #tpu.memory_space<vmem>>)
    %add3A_167 = arith.constant 160 : i32
    %add3A_168 = arith.addi %mul3A_2, %add3A_167 : i32
    %run_scoped3A_169 = arith.constant 0 : i32
    "tpu.region"() ({
      %run_scoped3A_275 = tpu.sem_alloc : memref<!tpu.dma_semaphore, #tpu.memory_space<semaphore_mem>>
      %dma_start3A_276 = arith.constant 0 : i32
      %dma_start3A_277 = arith.constant 0 : i32
      %dma_start3A_278 = tpu.memref_slice %arg7[%run_scoped3A_169, %dma_start3A_276, %dma_start3A_277] : memref<2x80x256xf32, #tpu.memory_space<vmem>> -> memref<1x80x256xf32, #tpu.memory_space<vmem>>
      %dma_start3A_279 = tpu.memref_squeeze %dma_start3A_278 : memref<1x80x256xf32, #tpu.memory_space<vmem>> -> memref<80x256xf32, #tpu.memory_space<vmem>>
      %dma_start3A_280 = arith.constant 0 : i32
      %dma_start3A_281 = tpu.memref_slice %arg5[%add3A_168, %dma_start3A_280] : memref<12800x384xf32, #tpu.memory_space<hbm>> -> memref<80x256xf32, #tpu.memory_space<hbm>>
      %dma_start3A_282 = arith.constant 0 : i32
      %dma_start3A_283 = tpu.memref_slice %arg5[%add3A_168, %dma_start3A_282] : memref<12800x384xf32, #tpu.memory_space<hbm>> -> memref<80x256xf32, #tpu.memory_space<hbm>>
      %dma_start3A_284 = arith.constant 0 : i32
      %dma_start3A_285 = arith.constant 0 : i32
      %dma_start3A_286 = tpu.memref_slice %arg7[%run_scoped3A_169, %dma_start3A_284, %dma_start3A_285] : memref<2x80x256xf32, #tpu.memory_space<vmem>> -> memref<1x80x256xf32, #tpu.memory_space<vmem>>
      %dma_start3A_287 = tpu.memref_squeeze %dma_start3A_286 : memref<1x80x256xf32, #tpu.memory_space<vmem>> -> memref<80x256xf32, #tpu.memory_space<vmem>>
      tpu.enqueue_dma source(%dma_start3A_287 : memref<80x256xf32, #tpu.memory_space<vmem>>) target(%dma_start3A_283 : memref<80x256xf32, #tpu.memory_space<hbm>>) target_semaphore(%run_scoped3A_275 : memref<!tpu.dma_semaphore, #tpu.memory_space<semaphore_mem>>)
      %dma_wait3A_288 = arith.constant 0 : i32
      %dma_wait3A_289 = arith.constant 0 : i32
      %dma_wait3A_290 = tpu.memref_slice %arg7[%run_scoped3A_169, %dma_wait3A_288, %dma_wait3A_289] : memref<2x80x256xf32, #tpu.memory_space<vmem>> -> memref<1x80x256xf32, #tpu.memory_space<vmem>>
      %dma_wait3A_291 = tpu.memref_squeeze %dma_wait3A_290 : memref<1x80x256xf32, #tpu.memory_space<vmem>> -> memref<80x256xf32, #tpu.memory_space<vmem>>
      %dma_wait3A_292 = arith.constant 0 : i32
      %dma_wait3A_293 = tpu.memref_slice %arg5[%add3A_168, %dma_wait3A_292] : memref<12800x384xf32, #tpu.memory_space<hbm>> -> memref<80x256xf32, #tpu.memory_space<hbm>>
      %dma_wait3A_294 = arith.constant 0 : i32
      %dma_wait3A_295 = tpu.memref_slice %arg5[%add3A_168, %dma_wait3A_294] : memref<12800x384xf32, #tpu.memory_space<hbm>> -> memref<80x256xf32, #tpu.memory_space<hbm>>
      %dma_wait3A_296 = arith.constant 0 : i32
      %dma_wait3A_297 = arith.constant 0 : i32
      %dma_wait3A_298 = tpu.memref_slice %arg7[%run_scoped3A_169, %dma_wait3A_296, %dma_wait3A_297] : memref<2x80x256xf32, #tpu.memory_space<vmem>> -> memref<1x80x256xf32, #tpu.memory_space<vmem>>
      %dma_wait3A_299 = tpu.memref_squeeze %dma_wait3A_298 : memref<1x80x256xf32, #tpu.memory_space<vmem>> -> memref<80x256xf32, #tpu.memory_space<vmem>>
      tpu.wait_dma2 semaphore(%run_scoped3A_275 : memref<!tpu.dma_semaphore, #tpu.memory_space<semaphore_mem>>) src(%dma_wait3A_299 : memref<80x256xf32, #tpu.memory_space<vmem>>) dst(%dma_wait3A_295 : memref<80x256xf32, #tpu.memory_space<hbm>>)
      tpu.yield
    }) : () -> ()
    %run_scoped3A_170 = arith.constant 0 : i32
    "tpu.region"() ({
      %run_scoped3A_275 = tpu.sem_alloc : memref<!tpu.dma_semaphore, #tpu.memory_space<semaphore_mem>>
      %dma_start3A_276 = arith.constant 0 : i32
      %dma_start3A_277 = arith.constant 0 : i32
      %dma_start3A_278 = tpu.memref_slice %arg8[%run_scoped3A_170, %dma_start3A_276, %dma_start3A_277] : memref<2x80x128xf32, #tpu.memory_space<vmem>> -> memref<1x80x128xf32, #tpu.memory_space<vmem>>
      %dma_start3A_279 = tpu.memref_squeeze %dma_start3A_278 : memref<1x80x128xf32, #tpu.memory_space<vmem>> -> memref<80x128xf32, #tpu.memory_space<vmem>>
      %dma_start3A_280 = arith.constant 256 : i32
      %dma_start3A_281 = tpu.memref_slice %arg5[%add3A_168, %dma_start3A_280] : memref<12800x384xf32, #tpu.memory_space<hbm>> -> memref<80x128xf32, #tpu.memory_space<hbm>>
      %dma_start3A_282 = arith.constant 256 : i32
      %dma_start3A_283 = tpu.memref_slice %arg5[%add3A_168, %dma_start3A_282] : memref<12800x384xf32, #tpu.memory_space<hbm>> -> memref<80x128xf32, #tpu.memory_space<hbm>>
      %dma_start3A_284 = arith.constant 0 : i32
      %dma_start3A_285 = arith.constant 0 : i32
      %dma_start3A_286 = tpu.memref_slice %arg8[%run_scoped3A_170, %dma_start3A_284, %dma_start3A_285] : memref<2x80x128xf32, #tpu.memory_space<vmem>> -> memref<1x80x128xf32, #tpu.memory_space<vmem>>
      %dma_start3A_287 = tpu.memref_squeeze %dma_start3A_286 : memref<1x80x128xf32, #tpu.memory_space<vmem>> -> memref<80x128xf32, #tpu.memory_space<vmem>>
      tpu.enqueue_dma source(%dma_start3A_287 : memref<80x128xf32, #tpu.memory_space<vmem>>) target(%dma_start3A_283 : memref<80x128xf32, #tpu.memory_space<hbm>>) target_semaphore(%run_scoped3A_275 : memref<!tpu.dma_semaphore, #tpu.memory_space<semaphore_mem>>)
      %dma_wait3A_288 = arith.constant 0 : i32
      %dma_wait3A_289 = arith.constant 0 : i32
      %dma_wait3A_290 = tpu.memref_slice %arg8[%run_scoped3A_170, %dma_wait3A_288, %dma_wait3A_289] : memref<2x80x128xf32, #tpu.memory_space<vmem>> -> memref<1x80x128xf32, #tpu.memory_space<vmem>>
      %dma_wait3A_291 = tpu.memref_squeeze %dma_wait3A_290 : memref<1x80x128xf32, #tpu.memory_space<vmem>> -> memref<80x128xf32, #tpu.memory_space<vmem>>
      %dma_wait3A_292 = arith.constant 256 : i32
      %dma_wait3A_293 = tpu.memref_slice %arg5[%add3A_168, %dma_wait3A_292] : memref<12800x384xf32, #tpu.memory_space<hbm>> -> memref<80x128xf32, #tpu.memory_space<hbm>>
      %dma_wait3A_294 = arith.constant 256 : i32
      %dma_wait3A_295 = tpu.memref_slice %arg5[%add3A_168, %dma_wait3A_294] : memref<12800x384xf32, #tpu.memory_space<hbm>> -> memref<80x128xf32, #tpu.memory_space<hbm>>
      %dma_wait3A_296 = arith.constant 0 : i32
      %dma_wait3A_297 = arith.constant 0 : i32
      %dma_wait3A_298 = tpu.memref_slice %arg8[%run_scoped3A_170, %dma_wait3A_296, %dma_wait3A_297] : memref<2x80x128xf32, #tpu.memory_space<vmem>> -> memref<1x80x128xf32, #tpu.memory_space<vmem>>
      %dma_wait3A_299 = tpu.memref_squeeze %dma_wait3A_298 : memref<1x80x128xf32, #tpu.memory_space<vmem>> -> memref<80x128xf32, #tpu.memory_space<vmem>>
      tpu.wait_dma2 semaphore(%run_scoped3A_275 : memref<!tpu.dma_semaphore, #tpu.memory_space<semaphore_mem>>) src(%dma_wait3A_299 : memref<80x128xf32, #tpu.memory_space<vmem>>) dst(%dma_wait3A_295 : memref<80x128xf32, #tpu.memory_space<hbm>>)
      tpu.yield
    }) : () -> ()
    %dma_start3A_171 = arith.constant 3 : i32
    %dma_start3A_172 = arith.constant 1 : i32
    %dma_start3A_173 = arith.constant 0 : i32
    %dma_start3A_174 = arith.constant 0 : i32
    %dma_start3A_175 = tpu.memref_slice %arg7[%dma_start3A_172, %dma_start3A_173, %dma_start3A_174] : memref<2x80x256xf32, #tpu.memory_space<vmem>> -> memref<1x80x256xf32, #tpu.memory_space<vmem>>
    %dma_start3A_176 = tpu.memref_squeeze %dma_start3A_175 : memref<1x80x256xf32, #tpu.memory_space<vmem>> -> memref<80x256xf32, #tpu.memory_space<vmem>>
    %dma_start3A_177 = arith.constant 0 : i32
    %dma_start3A_178 = tpu.memref_slice %arg6[%dma_start3A_171, %dma_start3A_177] : memref<5x80xi32, #tpu.memory_space<vmem>> -> memref<1x80xi32, #tpu.memory_space<vmem>>
    %dma_start3A_179 = tpu.memref_squeeze %dma_start3A_178 : memref<1x80xi32, #tpu.memory_space<vmem>> -> memref<80xi32, #tpu.memory_space<vmem>>
    %dma_start3A_180 = arith.constant 0 : i32
    %dma_start3A_181 = arith.constant 0 : i32
    %dma_start3A_182 = tpu.memref_slice %arg2[%dma_start3A_180, %dma_start3A_181] : memref<100001x300xf32, #tpu.memory_space<hbm>> -> memref<100001x256xf32, #tpu.memory_space<hbm>>
    tpu.enqueue_indirect_dma source(%dma_start3A_182 : memref<100001x256xf32, #tpu.memory_space<hbm>>) target(%dma_start3A_176 : memref<80x256xf32, #tpu.memory_space<vmem>>) offsets(%dma_start3A_179 : memref<80xi32, #tpu.memory_space<vmem>>) semaphore(%arg9 : memref<!tpu.dma_semaphore, #tpu.memory_space<semaphore_mem>>)
    %dma_start3A_183 = arith.constant 3 : i32
    %dma_start3A_184 = arith.constant 1 : i32
    %dma_start3A_185 = arith.constant 0 : i32
    %dma_start3A_186 = arith.constant 0 : i32
    %dma_start3A_187 = tpu.memref_slice %arg8[%dma_start3A_184, %dma_start3A_185, %dma_start3A_186] : memref<2x80x128xf32, #tpu.memory_space<vmem>> -> memref<1x80x128xf32, #tpu.memory_space<vmem>>
    %dma_start3A_188 = tpu.memref_squeeze %dma_start3A_187 : memref<1x80x128xf32, #tpu.memory_space<vmem>> -> memref<80x128xf32, #tpu.memory_space<vmem>>
    %dma_start3A_189 = arith.constant 0 : i32
    %dma_start3A_190 = tpu.memref_slice %arg6[%dma_start3A_183, %dma_start3A_189] : memref<5x80xi32, #tpu.memory_space<vmem>> -> memref<1x80xi32, #tpu.memory_space<vmem>>
    %dma_start3A_191 = tpu.memref_squeeze %dma_start3A_190 : memref<1x80xi32, #tpu.memory_space<vmem>> -> memref<80xi32, #tpu.memory_space<vmem>>
    %dma_start3A_192 = arith.constant 0 : i32
    %dma_start3A_193 = arith.constant 0 : i32
    %dma_start3A_194 = tpu.memref_slice %arg3[%dma_start3A_192, %dma_start3A_193] : memref<100001x128xf32, #tpu.memory_space<hbm>> -> memref<100001x128xf32, #tpu.memory_space<hbm>>
    tpu.enqueue_indirect_dma source(%dma_start3A_194 : memref<100001x128xf32, #tpu.memory_space<hbm>>) target(%dma_start3A_188 : memref<80x128xf32, #tpu.memory_space<vmem>>) offsets(%dma_start3A_191 : memref<80xi32, #tpu.memory_space<vmem>>) semaphore(%arg10 : memref<!tpu.dma_semaphore, #tpu.memory_space<semaphore_mem>>)
    %dma_wait3A_195 = arith.constant 3 : i32
    %dma_wait3A_196 = arith.constant 1 : i32
    %dma_wait3A_197 = arith.constant 0 : i32
    %dma_wait3A_198 = arith.constant 0 : i32
    %dma_wait3A_199 = tpu.memref_slice %arg7[%dma_wait3A_196, %dma_wait3A_197, %dma_wait3A_198] : memref<2x80x256xf32, #tpu.memory_space<vmem>> -> memref<1x80x256xf32, #tpu.memory_space<vmem>>
    %dma_wait3A_200 = tpu.memref_squeeze %dma_wait3A_199 : memref<1x80x256xf32, #tpu.memory_space<vmem>> -> memref<80x256xf32, #tpu.memory_space<vmem>>
    %dma_wait3A_201 = arith.constant 0 : i32
    %dma_wait3A_202 = tpu.memref_slice %arg6[%dma_wait3A_195, %dma_wait3A_201] : memref<5x80xi32, #tpu.memory_space<vmem>> -> memref<1x80xi32, #tpu.memory_space<vmem>>
    %dma_wait3A_203 = tpu.memref_squeeze %dma_wait3A_202 : memref<1x80xi32, #tpu.memory_space<vmem>> -> memref<80xi32, #tpu.memory_space<vmem>>
    %dma_wait3A_204 = arith.constant 0 : i32
    %dma_wait3A_205 = arith.constant 0 : i32
    %dma_wait3A_206 = tpu.memref_slice %arg2[%dma_wait3A_204, %dma_wait3A_205] : memref<100001x300xf32, #tpu.memory_space<hbm>> -> memref<100001x256xf32, #tpu.memory_space<hbm>>
    tpu.wait_indirect_dma semaphore(%arg9 : memref<!tpu.dma_semaphore, #tpu.memory_space<semaphore_mem>>) src(%dma_wait3A_206 : memref<100001x256xf32, #tpu.memory_space<hbm>>) dst(%dma_wait3A_200 : memref<80x256xf32, #tpu.memory_space<vmem>>)
    %dma_wait3A_207 = arith.constant 3 : i32
    %dma_wait3A_208 = arith.constant 1 : i32
    %dma_wait3A_209 = arith.constant 0 : i32
    %dma_wait3A_210 = arith.constant 0 : i32
    %dma_wait3A_211 = tpu.memref_slice %arg8[%dma_wait3A_208, %dma_wait3A_209, %dma_wait3A_210] : memref<2x80x128xf32, #tpu.memory_space<vmem>> -> memref<1x80x128xf32, #tpu.memory_space<vmem>>
    %dma_wait3A_212 = tpu.memref_squeeze %dma_wait3A_211 : memref<1x80x128xf32, #tpu.memory_space<vmem>> -> memref<80x128xf32, #tpu.memory_space<vmem>>
    %dma_wait3A_213 = arith.constant 0 : i32
    %dma_wait3A_214 = tpu.memref_slice %arg6[%dma_wait3A_207, %dma_wait3A_213] : memref<5x80xi32, #tpu.memory_space<vmem>> -> memref<1x80xi32, #tpu.memory_space<vmem>>
    %dma_wait3A_215 = tpu.memref_squeeze %dma_wait3A_214 : memref<1x80xi32, #tpu.memory_space<vmem>> -> memref<80xi32, #tpu.memory_space<vmem>>
    %dma_wait3A_216 = arith.constant 0 : i32
    %dma_wait3A_217 = arith.constant 0 : i32
    %dma_wait3A_218 = tpu.memref_slice %arg3[%dma_wait3A_216, %dma_wait3A_217] : memref<100001x128xf32, #tpu.memory_space<hbm>> -> memref<100001x128xf32, #tpu.memory_space<hbm>>
    tpu.wait_indirect_dma semaphore(%arg10 : memref<!tpu.dma_semaphore, #tpu.memory_space<semaphore_mem>>) src(%dma_wait3A_218 : memref<100001x128xf32, #tpu.memory_space<hbm>>) dst(%dma_wait3A_212 : memref<80x128xf32, #tpu.memory_space<vmem>>)
    %add3A_219 = arith.constant 240 : i32
    %add3A_220 = arith.addi %mul3A_2, %add3A_219 : i32
    %run_scoped3A_221 = arith.constant 1 : i32
    "tpu.region"() ({
      %run_scoped3A_275 = tpu.sem_alloc : memref<!tpu.dma_semaphore, #tpu.memory_space<semaphore_mem>>
      %dma_start3A_276 = arith.constant 0 : i32
      %dma_start3A_277 = arith.constant 0 : i32
      %dma_start3A_278 = tpu.memref_slice %arg7[%run_scoped3A_221, %dma_start3A_276, %dma_start3A_277] : memref<2x80x256xf32, #tpu.memory_space<vmem>> -> memref<1x80x256xf32, #tpu.memory_space<vmem>>
      %dma_start3A_279 = tpu.memref_squeeze %dma_start3A_278 : memref<1x80x256xf32, #tpu.memory_space<vmem>> -> memref<80x256xf32, #tpu.memory_space<vmem>>
      %dma_start3A_280 = arith.constant 0 : i32
      %dma_start3A_281 = tpu.memref_slice %arg5[%add3A_220, %dma_start3A_280] : memref<12800x384xf32, #tpu.memory_space<hbm>> -> memref<80x256xf32, #tpu.memory_space<hbm>>
      %dma_start3A_282 = arith.constant 0 : i32
      %dma_start3A_283 = tpu.memref_slice %arg5[%add3A_220, %dma_start3A_282] : memref<12800x384xf32, #tpu.memory_space<hbm>> -> memref<80x256xf32, #tpu.memory_space<hbm>>
      %dma_start3A_284 = arith.constant 0 : i32
      %dma_start3A_285 = arith.constant 0 : i32
      %dma_start3A_286 = tpu.memref_slice %arg7[%run_scoped3A_221, %dma_start3A_284, %dma_start3A_285] : memref<2x80x256xf32, #tpu.memory_space<vmem>> -> memref<1x80x256xf32, #tpu.memory_space<vmem>>
      %dma_start3A_287 = tpu.memref_squeeze %dma_start3A_286 : memref<1x80x256xf32, #tpu.memory_space<vmem>> -> memref<80x256xf32, #tpu.memory_space<vmem>>
      tpu.enqueue_dma source(%dma_start3A_287 : memref<80x256xf32, #tpu.memory_space<vmem>>) target(%dma_start3A_283 : memref<80x256xf32, #tpu.memory_space<hbm>>) target_semaphore(%run_scoped3A_275 : memref<!tpu.dma_semaphore, #tpu.memory_space<semaphore_mem>>)
      %dma_wait3A_288 = arith.constant 0 : i32
      %dma_wait3A_289 = arith.constant 0 : i32
      %dma_wait3A_290 = tpu.memref_slice %arg7[%run_scoped3A_221, %dma_wait3A_288, %dma_wait3A_289] : memref<2x80x256xf32, #tpu.memory_space<vmem>> -> memref<1x80x256xf32, #tpu.memory_space<vmem>>
      %dma_wait3A_291 = tpu.memref_squeeze %dma_wait3A_290 : memref<1x80x256xf32, #tpu.memory_space<vmem>> -> memref<80x256xf32, #tpu.memory_space<vmem>>
      %dma_wait3A_292 = arith.constant 0 : i32
      %dma_wait3A_293 = tpu.memref_slice %arg5[%add3A_220, %dma_wait3A_292] : memref<12800x384xf32, #tpu.memory_space<hbm>> -> memref<80x256xf32, #tpu.memory_space<hbm>>
      %dma_wait3A_294 = arith.constant 0 : i32
      %dma_wait3A_295 = tpu.memref_slice %arg5[%add3A_220, %dma_wait3A_294] : memref<12800x384xf32, #tpu.memory_space<hbm>> -> memref<80x256xf32, #tpu.memory_space<hbm>>
      %dma_wait3A_296 = arith.constant 0 : i32
      %dma_wait3A_297 = arith.constant 0 : i32
      %dma_wait3A_298 = tpu.memref_slice %arg7[%run_scoped3A_221, %dma_wait3A_296, %dma_wait3A_297] : memref<2x80x256xf32, #tpu.memory_space<vmem>> -> memref<1x80x256xf32, #tpu.memory_space<vmem>>
      %dma_wait3A_299 = tpu.memref_squeeze %dma_wait3A_298 : memref<1x80x256xf32, #tpu.memory_space<vmem>> -> memref<80x256xf32, #tpu.memory_space<vmem>>
      tpu.wait_dma2 semaphore(%run_scoped3A_275 : memref<!tpu.dma_semaphore, #tpu.memory_space<semaphore_mem>>) src(%dma_wait3A_299 : memref<80x256xf32, #tpu.memory_space<vmem>>) dst(%dma_wait3A_295 : memref<80x256xf32, #tpu.memory_space<hbm>>)
      tpu.yield
    }) : () -> ()
    %run_scoped3A_222 = arith.constant 1 : i32
    "tpu.region"() ({
      %run_scoped3A_275 = tpu.sem_alloc : memref<!tpu.dma_semaphore, #tpu.memory_space<semaphore_mem>>
      %dma_start3A_276 = arith.constant 0 : i32
      %dma_start3A_277 = arith.constant 0 : i32
      %dma_start3A_278 = tpu.memref_slice %arg8[%run_scoped3A_222, %dma_start3A_276, %dma_start3A_277] : memref<2x80x128xf32, #tpu.memory_space<vmem>> -> memref<1x80x128xf32, #tpu.memory_space<vmem>>
      %dma_start3A_279 = tpu.memref_squeeze %dma_start3A_278 : memref<1x80x128xf32, #tpu.memory_space<vmem>> -> memref<80x128xf32, #tpu.memory_space<vmem>>
      %dma_start3A_280 = arith.constant 256 : i32
      %dma_start3A_281 = tpu.memref_slice %arg5[%add3A_220, %dma_start3A_280] : memref<12800x384xf32, #tpu.memory_space<hbm>> -> memref<80x128xf32, #tpu.memory_space<hbm>>
      %dma_start3A_282 = arith.constant 256 : i32
      %dma_start3A_283 = tpu.memref_slice %arg5[%add3A_220, %dma_start3A_282] : memref<12800x384xf32, #tpu.memory_space<hbm>> -> memref<80x128xf32, #tpu.memory_space<hbm>>
      %dma_start3A_284 = arith.constant 0 : i32
      %dma_start3A_285 = arith.constant 0 : i32
      %dma_start3A_286 = tpu.memref_slice %arg8[%run_scoped3A_222, %dma_start3A_284, %dma_start3A_285] : memref<2x80x128xf32, #tpu.memory_space<vmem>> -> memref<1x80x128xf32, #tpu.memory_space<vmem>>
      %dma_start3A_287 = tpu.memref_squeeze %dma_start3A_286 : memref<1x80x128xf32, #tpu.memory_space<vmem>> -> memref<80x128xf32, #tpu.memory_space<vmem>>
      tpu.enqueue_dma source(%dma_start3A_287 : memref<80x128xf32, #tpu.memory_space<vmem>>) target(%dma_start3A_283 : memref<80x128xf32, #tpu.memory_space<hbm>>) target_semaphore(%run_scoped3A_275 : memref<!tpu.dma_semaphore, #tpu.memory_space<semaphore_mem>>)
      %dma_wait3A_288 = arith.constant 0 : i32
      %dma_wait3A_289 = arith.constant 0 : i32
      %dma_wait3A_290 = tpu.memref_slice %arg8[%run_scoped3A_222, %dma_wait3A_288, %dma_wait3A_289] : memref<2x80x128xf32, #tpu.memory_space<vmem>> -> memref<1x80x128xf32, #tpu.memory_space<vmem>>
      %dma_wait3A_291 = tpu.memref_squeeze %dma_wait3A_290 : memref<1x80x128xf32, #tpu.memory_space<vmem>> -> memref<80x128xf32, #tpu.memory_space<vmem>>
      %dma_wait3A_292 = arith.constant 256 : i32
      %dma_wait3A_293 = tpu.memref_slice %arg5[%add3A_220, %dma_wait3A_292] : memref<12800x384xf32, #tpu.memory_space<hbm>> -> memref<80x128xf32, #tpu.memory_space<hbm>>
      %dma_wait3A_294 = arith.constant 256 : i32
      %dma_wait3A_295 = tpu.memref_slice %arg5[%add3A_220, %dma_wait3A_294] : memref<12800x384xf32, #tpu.memory_space<hbm>> -> memref<80x128xf32, #tpu.memory_space<hbm>>
      %dma_wait3A_296 = arith.constant 0 : i32
      %dma_wait3A_297 = arith.constant 0 : i32
      %dma_wait3A_298 = tpu.memref_slice %arg8[%run_scoped3A_222, %dma_wait3A_296, %dma_wait3A_297] : memref<2x80x128xf32, #tpu.memory_space<vmem>> -> memref<1x80x128xf32, #tpu.memory_space<vmem>>
      %dma_wait3A_299 = tpu.memref_squeeze %dma_wait3A_298 : memref<1x80x128xf32, #tpu.memory_space<vmem>> -> memref<80x128xf32, #tpu.memory_space<vmem>>
      tpu.wait_dma2 semaphore(%run_scoped3A_275 : memref<!tpu.dma_semaphore, #tpu.memory_space<semaphore_mem>>) src(%dma_wait3A_299 : memref<80x128xf32, #tpu.memory_space<vmem>>) dst(%dma_wait3A_295 : memref<80x128xf32, #tpu.memory_space<hbm>>)
      tpu.yield
    }) : () -> ()
    %dma_start3A_223 = arith.constant 4 : i32
    %dma_start3A_224 = arith.constant 0 : i32
    %dma_start3A_225 = arith.constant 0 : i32
    %dma_start3A_226 = arith.constant 0 : i32
    %dma_start3A_227 = tpu.memref_slice %arg7[%dma_start3A_224, %dma_start3A_225, %dma_start3A_226] : memref<2x80x256xf32, #tpu.memory_space<vmem>> -> memref<1x80x256xf32, #tpu.memory_space<vmem>>
    %dma_start3A_228 = tpu.memref_squeeze %dma_start3A_227 : memref<1x80x256xf32, #tpu.memory_space<vmem>> -> memref<80x256xf32, #tpu.memory_space<vmem>>
    %dma_start3A_229 = arith.constant 0 : i32
    %dma_start3A_230 = tpu.memref_slice %arg6[%dma_start3A_223, %dma_start3A_229] : memref<5x80xi32, #tpu.memory_space<vmem>> -> memref<1x80xi32, #tpu.memory_space<vmem>>
    %dma_start3A_231 = tpu.memref_squeeze %dma_start3A_230 : memref<1x80xi32, #tpu.memory_space<vmem>> -> memref<80xi32, #tpu.memory_space<vmem>>
    %dma_start3A_232 = arith.constant 0 : i32
    %dma_start3A_233 = arith.constant 0 : i32
    %dma_start3A_234 = tpu.memref_slice %arg2[%dma_start3A_232, %dma_start3A_233] : memref<100001x300xf32, #tpu.memory_space<hbm>> -> memref<100001x256xf32, #tpu.memory_space<hbm>>
    tpu.enqueue_indirect_dma source(%dma_start3A_234 : memref<100001x256xf32, #tpu.memory_space<hbm>>) target(%dma_start3A_228 : memref<80x256xf32, #tpu.memory_space<vmem>>) offsets(%dma_start3A_231 : memref<80xi32, #tpu.memory_space<vmem>>) semaphore(%arg9 : memref<!tpu.dma_semaphore, #tpu.memory_space<semaphore_mem>>)
    %dma_start3A_235 = arith.constant 4 : i32
    %dma_start3A_236 = arith.constant 0 : i32
    %dma_start3A_237 = arith.constant 0 : i32
    %dma_start3A_238 = arith.constant 0 : i32
    %dma_start3A_239 = tpu.memref_slice %arg8[%dma_start3A_236, %dma_start3A_237, %dma_start3A_238] : memref<2x80x128xf32, #tpu.memory_space<vmem>> -> memref<1x80x128xf32, #tpu.memory_space<vmem>>
    %dma_start3A_240 = tpu.memref_squeeze %dma_start3A_239 : memref<1x80x128xf32, #tpu.memory_space<vmem>> -> memref<80x128xf32, #tpu.memory_space<vmem>>
    %dma_start3A_241 = arith.constant 0 : i32
    %dma_start3A_242 = tpu.memref_slice %arg6[%dma_start3A_235, %dma_start3A_241] : memref<5x80xi32, #tpu.memory_space<vmem>> -> memref<1x80xi32, #tpu.memory_space<vmem>>
    %dma_start3A_243 = tpu.memref_squeeze %dma_start3A_242 : memref<1x80xi32, #tpu.memory_space<vmem>> -> memref<80xi32, #tpu.memory_space<vmem>>
    %dma_start3A_244 = arith.constant 0 : i32
    %dma_start3A_245 = arith.constant 0 : i32
    %dma_start3A_246 = tpu.memref_slice %arg3[%dma_start3A_244, %dma_start3A_245] : memref<100001x128xf32, #tpu.memory_space<hbm>> -> memref<100001x128xf32, #tpu.memory_space<hbm>>
    tpu.enqueue_indirect_dma source(%dma_start3A_246 : memref<100001x128xf32, #tpu.memory_space<hbm>>) target(%dma_start3A_240 : memref<80x128xf32, #tpu.memory_space<vmem>>) offsets(%dma_start3A_243 : memref<80xi32, #tpu.memory_space<vmem>>) semaphore(%arg10 : memref<!tpu.dma_semaphore, #tpu.memory_space<semaphore_mem>>)
    %dma_wait3A_247 = arith.constant 4 : i32
    %dma_wait3A_248 = arith.constant 0 : i32
    %dma_wait3A_249 = arith.constant 0 : i32
    %dma_wait3A_250 = arith.constant 0 : i32
    %dma_wait3A_251 = tpu.memref_slice %arg7[%dma_wait3A_248, %dma_wait3A_249, %dma_wait3A_250] : memref<2x80x256xf32, #tpu.memory_space<vmem>> -> memref<1x80x256xf32, #tpu.memory_space<vmem>>
    %dma_wait3A_252 = tpu.memref_squeeze %dma_wait3A_251 : memref<1x80x256xf32, #tpu.memory_space<vmem>> -> memref<80x256xf32, #tpu.memory_space<vmem>>
    %dma_wait3A_253 = arith.constant 0 : i32
    %dma_wait3A_254 = tpu.memref_slice %arg6[%dma_wait3A_247, %dma_wait3A_253] : memref<5x80xi32, #tpu.memory_space<vmem>> -> memref<1x80xi32, #tpu.memory_space<vmem>>
    %dma_wait3A_255 = tpu.memref_squeeze %dma_wait3A_254 : memref<1x80xi32, #tpu.memory_space<vmem>> -> memref<80xi32, #tpu.memory_space<vmem>>
    %dma_wait3A_256 = arith.constant 0 : i32
    %dma_wait3A_257 = arith.constant 0 : i32
    %dma_wait3A_258 = tpu.memref_slice %arg2[%dma_wait3A_256, %dma_wait3A_257] : memref<100001x300xf32, #tpu.memory_space<hbm>> -> memref<100001x256xf32, #tpu.memory_space<hbm>>
    tpu.wait_indirect_dma semaphore(%arg9 : memref<!tpu.dma_semaphore, #tpu.memory_space<semaphore_mem>>) src(%dma_wait3A_258 : memref<100001x256xf32, #tpu.memory_space<hbm>>) dst(%dma_wait3A_252 : memref<80x256xf32, #tpu.memory_space<vmem>>)
    %dma_wait3A_259 = arith.constant 4 : i32
    %dma_wait3A_260 = arith.constant 0 : i32
    %dma_wait3A_261 = arith.constant 0 : i32
    %dma_wait3A_262 = arith.constant 0 : i32
    %dma_wait3A_263 = tpu.memref_slice %arg8[%dma_wait3A_260, %dma_wait3A_261, %dma_wait3A_262] : memref<2x80x128xf32, #tpu.memory_space<vmem>> -> memref<1x80x128xf32, #tpu.memory_space<vmem>>
    %dma_wait3A_264 = tpu.memref_squeeze %dma_wait3A_263 : memref<1x80x128xf32, #tpu.memory_space<vmem>> -> memref<80x128xf32, #tpu.memory_space<vmem>>
    %dma_wait3A_265 = arith.constant 0 : i32
    %dma_wait3A_266 = tpu.memref_slice %arg6[%dma_wait3A_259, %dma_wait3A_265] : memref<5x80xi32, #tpu.memory_space<vmem>> -> memref<1x80xi32, #tpu.memory_space<vmem>>
    %dma_wait3A_267 = tpu.memref_squeeze %dma_wait3A_266 : memref<1x80xi32, #tpu.memory_space<vmem>> -> memref<80xi32, #tpu.memory_space<vmem>>
    %dma_wait3A_268 = arith.constant 0 : i32
    %dma_wait3A_269 = arith.constant 0 : i32
    %dma_wait3A_270 = tpu.memref_slice %arg3[%dma_wait3A_268, %dma_wait3A_269] : memref<100001x128xf32, #tpu.memory_space<hbm>> -> memref<100001x128xf32, #tpu.memory_space<hbm>>
    tpu.wait_indirect_dma semaphore(%arg10 : memref<!tpu.dma_semaphore, #tpu.memory_space<semaphore_mem>>) src(%dma_wait3A_270 : memref<100001x128xf32, #tpu.memory_space<hbm>>) dst(%dma_wait3A_264 : memref<80x128xf32, #tpu.memory_space<vmem>>)
    %add3A_271 = arith.constant 320 : i32
    %add3A_272 = arith.addi %mul3A_2, %add3A_271 : i32
    %run_scoped3A_273 = arith.constant 0 : i32
    "tpu.region"() ({
      %run_scoped3A_275 = tpu.sem_alloc : memref<!tpu.dma_semaphore, #tpu.memory_space<semaphore_mem>>
      %dma_start3A_276 = arith.constant 0 : i32
      %dma_start3A_277 = arith.constant 0 : i32
      %dma_start3A_278 = tpu.memref_slice %arg7[%run_scoped3A_273, %dma_start3A_276, %dma_start3A_277] : memref<2x80x256xf32, #tpu.memory_space<vmem>> -> memref<1x80x256xf32, #tpu.memory_space<vmem>>
      %dma_start3A_279 = tpu.memref_squeeze %dma_start3A_278 : memref<1x80x256xf32, #tpu.memory_space<vmem>> -> memref<80x256xf32, #tpu.memory_space<vmem>>
      %dma_start3A_280 = arith.constant 0 : i32
      %dma_start3A_281 = tpu.memref_slice %arg5[%add3A_272, %dma_start3A_280] : memref<12800x384xf32, #tpu.memory_space<hbm>> -> memref<80x256xf32, #tpu.memory_space<hbm>>
      %dma_start3A_282 = arith.constant 0 : i32
      %dma_start3A_283 = tpu.memref_slice %arg5[%add3A_272, %dma_start3A_282] : memref<12800x384xf32, #tpu.memory_space<hbm>> -> memref<80x256xf32, #tpu.memory_space<hbm>>
      %dma_start3A_284 = arith.constant 0 : i32
      %dma_start3A_285 = arith.constant 0 : i32
      %dma_start3A_286 = tpu.memref_slice %arg7[%run_scoped3A_273, %dma_start3A_284, %dma_start3A_285] : memref<2x80x256xf32, #tpu.memory_space<vmem>> -> memref<1x80x256xf32, #tpu.memory_space<vmem>>
      %dma_start3A_287 = tpu.memref_squeeze %dma_start3A_286 : memref<1x80x256xf32, #tpu.memory_space<vmem>> -> memref<80x256xf32, #tpu.memory_space<vmem>>
      tpu.enqueue_dma source(%dma_start3A_287 : memref<80x256xf32, #tpu.memory_space<vmem>>) target(%dma_start3A_283 : memref<80x256xf32, #tpu.memory_space<hbm>>) target_semaphore(%run_scoped3A_275 : memref<!tpu.dma_semaphore, #tpu.memory_space<semaphore_mem>>)
      %dma_wait3A_288 = arith.constant 0 : i32
      %dma_wait3A_289 = arith.constant 0 : i32
      %dma_wait3A_290 = tpu.memref_slice %arg7[%run_scoped3A_273, %dma_wait3A_288, %dma_wait3A_289] : memref<2x80x256xf32, #tpu.memory_space<vmem>> -> memref<1x80x256xf32, #tpu.memory_space<vmem>>
      %dma_wait3A_291 = tpu.memref_squeeze %dma_wait3A_290 : memref<1x80x256xf32, #tpu.memory_space<vmem>> -> memref<80x256xf32, #tpu.memory_space<vmem>>
      %dma_wait3A_292 = arith.constant 0 : i32
      %dma_wait3A_293 = tpu.memref_slice %arg5[%add3A_272, %dma_wait3A_292] : memref<12800x384xf32, #tpu.memory_space<hbm>> -> memref<80x256xf32, #tpu.memory_space<hbm>>
      %dma_wait3A_294 = arith.constant 0 : i32
      %dma_wait3A_295 = tpu.memref_slice %arg5[%add3A_272, %dma_wait3A_294] : memref<12800x384xf32, #tpu.memory_space<hbm>> -> memref<80x256xf32, #tpu.memory_space<hbm>>
      %dma_wait3A_296 = arith.constant 0 : i32
      %dma_wait3A_297 = arith.constant 0 : i32
      %dma_wait3A_298 = tpu.memref_slice %arg7[%run_scoped3A_273, %dma_wait3A_296, %dma_wait3A_297] : memref<2x80x256xf32, #tpu.memory_space<vmem>> -> memref<1x80x256xf32, #tpu.memory_space<vmem>>
      %dma_wait3A_299 = tpu.memref_squeeze %dma_wait3A_298 : memref<1x80x256xf32, #tpu.memory_space<vmem>> -> memref<80x256xf32, #tpu.memory_space<vmem>>
      tpu.wait_dma2 semaphore(%run_scoped3A_275 : memref<!tpu.dma_semaphore, #tpu.memory_space<semaphore_mem>>) src(%dma_wait3A_299 : memref<80x256xf32, #tpu.memory_space<vmem>>) dst(%dma_wait3A_295 : memref<80x256xf32, #tpu.memory_space<hbm>>)
      tpu.yield
    }) : () -> ()
    %run_scoped3A_274 = arith.constant 0 : i32
    "tpu.region"() ({
      %run_scoped3A_275 = tpu.sem_alloc : memref<!tpu.dma_semaphore, #tpu.memory_space<semaphore_mem>>
      %dma_start3A_276 = arith.constant 0 : i32
      %dma_start3A_277 = arith.constant 0 : i32
      %dma_start3A_278 = tpu.memref_slice %arg8[%run_scoped3A_274, %dma_start3A_276, %dma_start3A_277] : memref<2x80x128xf32, #tpu.memory_space<vmem>> -> memref<1x80x128xf32, #tpu.memory_space<vmem>>
      %dma_start3A_279 = tpu.memref_squeeze %dma_start3A_278 : memref<1x80x128xf32, #tpu.memory_space<vmem>> -> memref<80x128xf32, #tpu.memory_space<vmem>>
      %dma_start3A_280 = arith.constant 256 : i32
      %dma_start3A_281 = tpu.memref_slice %arg5[%add3A_272, %dma_start3A_280] : memref<12800x384xf32, #tpu.memory_space<hbm>> -> memref<80x128xf32, #tpu.memory_space<hbm>>
      %dma_start3A_282 = arith.constant 256 : i32
      %dma_start3A_283 = tpu.memref_slice %arg5[%add3A_272, %dma_start3A_282] : memref<12800x384xf32, #tpu.memory_space<hbm>> -> memref<80x128xf32, #tpu.memory_space<hbm>>
      %dma_start3A_284 = arith.constant 0 : i32
      %dma_start3A_285 = arith.constant 0 : i32
      %dma_start3A_286 = tpu.memref_slice %arg8[%run_scoped3A_274, %dma_start3A_284, %dma_start3A_285] : memref<2x80x128xf32, #tpu.memory_space<vmem>> -> memref<1x80x128xf32, #tpu.memory_space<vmem>>
      %dma_start3A_287 = tpu.memref_squeeze %dma_start3A_286 : memref<1x80x128xf32, #tpu.memory_space<vmem>> -> memref<80x128xf32, #tpu.memory_space<vmem>>
      tpu.enqueue_dma source(%dma_start3A_287 : memref<80x128xf32, #tpu.memory_space<vmem>>) target(%dma_start3A_283 : memref<80x128xf32, #tpu.memory_space<hbm>>) target_semaphore(%run_scoped3A_275 : memref<!tpu.dma_semaphore, #tpu.memory_space<semaphore_mem>>)
      %dma_wait3A_288 = arith.constant 0 : i32
      %dma_wait3A_289 = arith.constant 0 : i32
      %dma_wait3A_290 = tpu.memref_slice %arg8[%run_scoped3A_274, %dma_wait3A_288, %dma_wait3A_289] : memref<2x80x128xf32, #tpu.memory_space<vmem>> -> memref<1x80x128xf32, #tpu.memory_space<vmem>>
      %dma_wait3A_291 = tpu.memref_squeeze %dma_wait3A_290 : memref<1x80x128xf32, #tpu.memory_space<vmem>> -> memref<80x128xf32, #tpu.memory_space<vmem>>
      %dma_wait3A_292 = arith.constant 256 : i32
      %dma_wait3A_293 = tpu.memref_slice %arg5[%add3A_272, %dma_wait3A_292] : memref<12800x384xf32, #tpu.memory_space<hbm>> -> memref<80x128xf32, #tpu.memory_space<hbm>>
      %dma_wait3A_294 = arith.constant 256 : i32
      %dma_wait3A_295 = tpu.memref_slice %arg5[%add3A_272, %dma_wait3A_294] : memref<12800x384xf32, #tpu.memory_space<hbm>> -> memref<80x128xf32, #tpu.memory_space<hbm>>
      %dma_wait3A_296 = arith.constant 0 : i32
      %dma_wait3A_297 = arith.constant 0 : i32
      %dma_wait3A_298 = tpu.memref_slice %arg8[%run_scoped3A_274, %dma_wait3A_296, %dma_wait3A_297] : memref<2x80x128xf32, #tpu.memory_space<vmem>> -> memref<1x80x128xf32, #tpu.memory_space<vmem>>
      %dma_wait3A_299 = tpu.memref_squeeze %dma_wait3A_298 : memref<1x80x128xf32, #tpu.memory_space<vmem>> -> memref<80x128xf32, #tpu.memory_space<vmem>>
      tpu.wait_dma2 semaphore(%run_scoped3A_275 : memref<!tpu.dma_semaphore, #tpu.memory_space<semaphore_mem>>) src(%dma_wait3A_299 : memref<80x128xf32, #tpu.memory_space<vmem>>) dst(%dma_wait3A_295 : memref<80x128xf32, #tpu.memory_space<hbm>>)
      tpu.yield
    }) : () -> ()
    return
  }
}

module attributes {stable_mosaic.version = 14 : i64} {
  func.func @_pad_body(%arg0: i32, %arg1: memref<2048x128xf32, #tpu.memory_space<vmem>>, %arg2: memref<2048x128xf32, #tpu.memory_space<vmem>>) attributes {dimension_semantics = [#tpu.dimension_semantics<arbitrary>], iteration_bounds = array<i64: 49>, scalar_prefetch = 0 : i64, scratch_operands = 0 : i64, tpu.core_type = #tpu.core_type<tc>, window_params = [{transform_indices = @transform_0, window_bounds = array<i64: 2048, 128>}, {transform_indices = @transform_1, window_bounds = array<i64: 2048, 128>}]} {
    %get3A = arith.constant 0 : index
    %get3A_0 = arith.constant 0 : index
    %get3A_1 = vector.load %arg1[%get3A, %get3A_0] : memref<2048x128xf32, #tpu.memory_space<vmem>>, vector<2048x44xf32>
    %swap3A = arith.constant 0 : index
    %swap3A_2 = arith.constant 0 : index
    %swap3A_3 = vector.load %arg2[%swap3A, %swap3A_2] : memref<2048x128xf32, #tpu.memory_space<vmem>>, vector<2048x44xf32>
    tpu.vector_store %arg2[%swap3A, %swap3A_2], %get3A_1 {strides = array<i32>} : memref<2048x128xf32, #tpu.memory_space<vmem>>, vector<2048x44xf32>,
    %broadcast_in_dim3A = arith.constant 0.000000e+00 : f32
    %broadcast_in_dim3A_4 = vector.broadcast %broadcast_in_dim3A : f32 to vector<2048x84xf32>
    %swap3A_5 = arith.constant 0 : index
    %swap3A_6 = arith.constant 44 : index
    %swap3A_7 = vector.load %arg2[%swap3A_5, %swap3A_6] : memref<2048x128xf32, #tpu.memory_space<vmem>>, vector<2048x84xf32>
    tpu.vector_store %arg2[%swap3A_5, %swap3A_6], %broadcast_in_dim3A_4 {strides = array<i32>} : memref<2048x128xf32, #tpu.memory_space<vmem>>, vector<2048x84xf32>,
    return
  }
  func.func @transform_0(%arg0: i32) -> (i32, i32) {
    %c2_i32 = arith.constant 2 : i32
    %c0_i32 = arith.constant 0 : i32
    return %arg0, %c2_i32 : i32, i32
  }
  func.func @transform_1(%arg0: i32) -> (i32, i32) {
    %c0_i32 = arith.constant 0 : i32
    %c0_i32_0 = arith.constant 0 : i32
    return %arg0, %c0_i32 : i32, i32
  }
}

module attributes {stable_mosaic.version = 14 : i64} {
  func.func @_tc_body(%arg0: i32, %arg1: memref<512x384xf32, #tpu.memory_space<vmem>>, %arg2: memref<1x1x512xi32, #tpu.memory_space<vmem>>, %arg3: memref<1x512x16xi32, #tpu.memory_space<vmem>>, %arg4: memref<1001x300xbf16, #tpu.memory_space<vmem>>, %arg5: memref<257x200xbf16, #tpu.memory_space<vmem>>, %arg6: memref<5x200x200xbf16, #tpu.memory_space<vmem>>, %arg7: memref<1x200xf32, #tpu.memory_space<vmem>>, %arg8: memref<500x500xbf16, #tpu.memory_space<vmem>>, %arg9: memref<1x500xf32, #tpu.memory_space<vmem>>, %arg10: memref<500x500xbf16, #tpu.memory_space<vmem>>, %arg11: memref<1x500xf32, #tpu.memory_space<vmem>>, %arg12: memref<500x500xbf16, #tpu.memory_space<vmem>>, %arg13: memref<1x500xf32, #tpu.memory_space<vmem>>, %arg14: memref<500x500xbf16, #tpu.memory_space<vmem>>, %arg15: memref<1x500xf32, #tpu.memory_space<vmem>>, %arg16: memref<512x500xf32, #tpu.memory_space<vmem>>, %arg17: memref<20x512x200xbf16, #tpu.memory_space<vmem>>) attributes {dimension_semantics = [#tpu.dimension_semantics<arbitrary>], iteration_bounds = array<i64: 25>, scalar_prefetch = 0 : i64, scratch_operands = 1 : i64, tpu.core_type = #tpu.core_type<tc>, window_params = [{transform_indices = @transform_0, window_bounds = array<i64: 512, 384>}, {transform_indices = @transform_1, window_bounds = array<i64: 1, 1, 512>}, {transform_indices = @transform_2, window_bounds = array<i64: 1, 512, 16>}, {pipeline_mode = #tpu.pipeline_mode<synchronous>, transform_indices = @transform_3, window_bounds = array<i64: 1001, 300>}, {pipeline_mode = #tpu.pipeline_mode<synchronous>, transform_indices = @transform_4, window_bounds = array<i64: 257, 200>}, {pipeline_mode = #tpu.pipeline_mode<synchronous>, transform_indices = @transform_5, window_bounds = array<i64: 5, 200, 200>}, {pipeline_mode = #tpu.pipeline_mode<synchronous>, transform_indices = @transform_6, window_bounds = array<i64: 1, 200>}, {pipeline_mode = #tpu.pipeline_mode<synchronous>, transform_indices = @transform_7, window_bounds = array<i64: 500, 500>}, {pipeline_mode = #tpu.pipeline_mode<synchronous>, transform_indices = @transform_8, window_bounds = array<i64: 1, 500>}, {pipeline_mode = #tpu.pipeline_mode<synchronous>, transform_indices = @transform_9, window_bounds = array<i64: 500, 500>}, {pipeline_mode = #tpu.pipeline_mode<synchronous>, transform_indices = @transform_10, window_bounds = array<i64: 1, 500>}, {pipeline_mode = #tpu.pipeline_mode<synchronous>, transform_indices = @transform_11, window_bounds = array<i64: 500, 500>}, {pipeline_mode = #tpu.pipeline_mode<synchronous>, transform_indices = @transform_12, window_bounds = array<i64: 1, 500>}, {pipeline_mode = #tpu.pipeline_mode<synchronous>, transform_indices = @transform_13, window_bounds = array<i64: 500, 500>}, {pipeline_mode = #tpu.pipeline_mode<synchronous>, transform_indices = @transform_14, window_bounds = array<i64: 1, 500>}, {transform_indices = @transform_15, window_bounds = array<i64: 512, 500>}]} {
    %get3A = arith.constant 0 : index
    %get3A_0 = arith.constant 0 : index
    %get3A_1 = arith.constant 0 : index
    %get3A_2 = vector.load %arg2[%get3A, %get3A_0, %get3A_1] : memref<1x1x512xi32, #tpu.memory_space<vmem>>, vector<1x1x512xi32>
    %get3A_3 = vector.shape_cast %get3A_2 : vector<1x1x512xi32> to vector<512xi32>
    %sub3A = arith.constant 99000 : i32
    %sub3A_4 = vector.broadcast %sub3A : i32 to vector<512xi32>
    %sub3A_5 = arith.subi %get3A_3, %sub3A_4 : vector<512xi32>
    %max3A = arith.constant 0 : i32
    %max3A_6 = vector.broadcast %max3A : i32 to vector<512xi32>
    %max3A_7 = arith.maxsi %sub3A_5, %max3A_6 : vector<512xi32>
    %iota3A = tpu.iota {dimensions = array<i32: 1>} : vector<512x1001xi32>
    %broadcast_in_dim3A = vector.shape_cast %max3A_7 : vector<512xi32> to vector<512x1xi32>
    %eq3A = vector.broadcast %broadcast_in_dim3A : vector<512x1xi32> to vector<512x1001xi32>
    %eq3A_8 = arith.cmpi eq, %iota3A, %eq3A : vector<512x1001xi32>
    %convert_element_type3A = arith.extui %eq3A_8 : vector<512x1001xi1> to vector<512x1001xi32>
    %convert_element_type3A_9 = arith.sitofp %convert_element_type3A : vector<512x1001xi32> to vector<512x1001xf32>
    %convert_element_type3A_10 = arith.truncf %convert_element_type3A_9 : vector<512x1001xf32> to vector<512x1001xbf16>
    %get3A_11 = arith.constant 0 : index
    %get3A_12 = arith.constant 0 : index
    %get3A_13 = vector.load %arg4[%get3A_11, %get3A_12] : memref<1001x300xbf16, #tpu.memory_space<vmem>>, vector<1001x300xbf16>
    %dot_general3A = arith.constant dense<0.000000e+00> : vector<512x300xf32>
    %dot_general3A_14 = tpu.matmul %convert_element_type3A_10, %get3A_13, %dot_general3A {dimension_numbers = #tpu.dot_dimension_numbers<[1], [0], [0], [1], [0, 0, 1, 1], [], []>, transpose_lhs_hint = false} : vector<512x1001xbf16>, vector<1001x300xbf16>, vector<512x300xf32> -> vector<512x300xf32>
    %get3A_15 = arith.constant 0 : index
    %get3A_16 = arith.constant 0 : index
    %get3A_17 = vector.load %arg1[%get3A_15, %get3A_16] : memref<512x384xf32, #tpu.memory_space<vmem>>, vector<512x384xf32>
    %slice3A = vector.extract_strided_slice %get3A_17 {offsets = [0, 0], sizes = [512, 300], strides = [1, 1]} : vector<512x384xf32> to vector<512x300xf32>
    %max3A_18 = arith.constant 0.000000e+00 : f32
    %max3A_19 = vector.broadcast %max3A_18 : f32 to vector<512x300xf32>
    %max3A_20 = arith.maximumf %dot_general3A_14, %max3A_19 : vector<512x300xf32>
    %add3A = arith.addf %slice3A, %max3A_20 : vector<512x300xf32>
    %get3A_21 = arith.constant 0 : index
    %get3A_22 = arith.constant 0 : index
    %get3A_23 = arith.constant 0 : index
    %get3A_24 = vector.load %arg3[%get3A_21, %get3A_22, %get3A_23] : memref<1x512x16xi32, #tpu.memory_space<vmem>>, vector<1x512x16xi32>
    %get3A_25 = vector.shape_cast %get3A_24 : vector<1x512x16xi32> to vector<512x16xi32>
    %transpose3A = tpu.transpose %get3A_25, [1, 0] : vector<512x16xi32> -> vector<16x512xi32>
    %iota3A_26 = tpu.iota {dimensions = array<i32: 2>} : vector<16x512x256xi32>
    %broadcast_in_dim3A_27 = vector.shape_cast %transpose3A : vector<16x512xi32> to vector<16x512x1xi32>
    %eq3A_28 = vector.broadcast %broadcast_in_dim3A_27 : vector<16x512x1xi32> to vector<16x512x256xi32>
    %eq3A_29 = arith.cmpi eq, %iota3A_26, %eq3A_28 : vector<16x512x256xi32>
    %convert_element_type3A_30 = arith.extui %eq3A_29 : vector<16x512x256xi1> to vector<16x512x256xi32>
    %convert_element_type3A_31 = arith.sitofp %convert_element_type3A_30 : vector<16x512x256xi32> to vector<16x512x256xf32>
    %convert_element_type3A_32 = arith.truncf %convert_element_type3A_31 : vector<16x512x256xf32> to vector<16x512x256xbf16>
    %reshape3A = vector.shape_cast %convert_element_type3A_32 : vector<16x512x256xbf16> to vector<8192x256xbf16>
    %get3A_33 = arith.constant 0 : index
    %get3A_34 = arith.constant 0 : index
    %get3A_35 = vector.load %arg5[%get3A_33, %get3A_34] : memref<257x200xbf16, #tpu.memory_space<vmem>>, vector<256x200xbf16>
    %dot_general3A_36 = arith.constant dense<0.000000e+00> : vector<8192x200xf32>
    %dot_general3A_37 = tpu.matmul %reshape3A, %get3A_35, %dot_general3A_36 {dimension_numbers = #tpu.dot_dimension_numbers<[1], [0], [0], [1], [0, 0, 1, 1], [], []>, transpose_lhs_hint = false} : vector<8192x256xbf16>, vector<256x200xbf16>, vector<8192x200xf32> -> vector<8192x200xf32>
    %eq3A_38 = arith.constant 256 : i32
    %eq3A_39 = vector.broadcast %eq3A_38 : i32 to vector<16x512xi32>
    %eq3A_40 = arith.cmpi eq, %transpose3A, %eq3A_39 : vector<16x512xi32>
    %convert_element_type3A_41 = arith.extui %eq3A_40 : vector<16x512xi1> to vector<16x512xi32>
    %convert_element_type3A_42 = arith.sitofp %convert_element_type3A_41 : vector<16x512xi32> to vector<16x512xf32>
    %broadcast_in_dim3A_43 = vector.shape_cast %convert_element_type3A_42 : vector<16x512xf32> to vector<16x512x1xf32>
    %reshape3A_44 = vector.shape_cast %dot_general3A_37 : vector<8192x200xf32> to vector<16x512x200xf32>
    %get3A_45 = arith.constant 256 : index
    %get3A_46 = arith.constant 0 : index
    %get3A_47 = vector.load %arg5[%get3A_45, %get3A_46] : memref<257x200xbf16, #tpu.memory_space<vmem>>, vector<1x200xbf16>
    %convert_element_type3A_48 = arith.extf %get3A_47 : vector<1x200xbf16> to vector<1x200xf32>
    %broadcast_in_dim3A_49 = vector.shape_cast %convert_element_type3A_48 : vector<1x200xf32> to vector<1x1x200xf32>
    %mul3A = vector.broadcast %broadcast_in_dim3A_43 : vector<16x512x1xf32> to vector<16x512x200xf32>
    %mul3A_50 = vector.broadcast %broadcast_in_dim3A_49 : vector<1x1x200xf32> to vector<16x512x200xf32>
    %mul3A_51 = arith.mulf %mul3A, %mul3A_50 : vector<16x512x200xf32>
    %add3A_52 = arith.addf %reshape3A_44, %mul3A_51 : vector<16x512x200xf32>
    %convert_element_type3A_53 = arith.truncf %add3A_52 : vector<16x512x200xf32> to vector<16x512x200xbf16>
    %broadcast_in_dim3A_54 = arith.constant 0.000000e+00 : bf16
    %broadcast_in_dim3A_55 = vector.broadcast %broadcast_in_dim3A_54 : bf16 to vector<2x512x200xbf16>
    %swap3A = arith.constant 0 : index
    %swap3A_56 = arith.constant 0 : index
    %swap3A_57 = arith.constant 0 : index
    %swap3A_58 = vector.load %arg17[%swap3A, %swap3A_56, %swap3A_57] : memref<20x512x200xbf16, #tpu.memory_space<vmem>>, vector<2x512x200xbf16>
    tpu.vector_store %arg17[%swap3A, %swap3A_56, %swap3A_57], %broadcast_in_dim3A_55 {strides = array<i32>} : memref<20x512x200xbf16, #tpu.memory_space<vmem>>, vector<2x512x200xbf16>,
    %swap3A_59 = arith.constant 2 : index
    %swap3A_60 = arith.constant 0 : index
    %swap3A_61 = arith.constant 0 : index
    %swap3A_62 = vector.load %arg17[%swap3A_59, %swap3A_60, %swap3A_61] : memref<20x512x200xbf16, #tpu.memory_space<vmem>>, vector<16x512x200xbf16>
    tpu.vector_store %arg17[%swap3A_59, %swap3A_60, %swap3A_61], %convert_element_type3A_53 {strides = array<i32>} : memref<20x512x200xbf16, #tpu.memory_space<vmem>>, vector<16x512x200xbf16>,
    %broadcast_in_dim3A_63 = arith.constant 0.000000e+00 : bf16
    %broadcast_in_dim3A_64 = vector.broadcast %broadcast_in_dim3A_63 : bf16 to vector<2x512x200xbf16>
    %swap3A_65 = arith.constant 18 : index
    %swap3A_66 = arith.constant 0 : index
    %swap3A_67 = arith.constant 0 : index
    %swap3A_68 = vector.load %arg17[%swap3A_65, %swap3A_66, %swap3A_67] : memref<20x512x200xbf16, #tpu.memory_space<vmem>>, vector<2x512x200xbf16>
    tpu.vector_store %arg17[%swap3A_65, %swap3A_66, %swap3A_67], %broadcast_in_dim3A_64 {strides = array<i32>} : memref<20x512x200xbf16, #tpu.memory_space<vmem>>, vector<2x512x200xbf16>,
    %get3A_69 = arith.constant 0 : index
    %get3A_70 = arith.constant 0 : index
    %get3A_71 = arith.constant 0 : index
    %get3A_72 = vector.load %arg17[%get3A_69, %get3A_70, %get3A_71] : memref<20x512x200xbf16, #tpu.memory_space<vmem>>, vector<16x512x200xbf16>
    %reshape3A_73 = vector.shape_cast %get3A_72 : vector<16x512x200xbf16> to vector<8192x200xbf16>
    %get3A_74 = arith.constant 0 : index
    %get3A_75 = arith.constant 0 : index
    %get3A_76 = arith.constant 0 : index
    %get3A_77 = vector.load %arg6[%get3A_74, %get3A_75, %get3A_76] : memref<5x200x200xbf16, #tpu.memory_space<vmem>>, vector<1x200x200xbf16>
    %get3A_78 = vector.shape_cast %get3A_77 : vector<1x200x200xbf16> to vector<200x200xbf16>
    %dot_general3A_79 = arith.constant dense<0.000000e+00> : vector<8192x200xf32>
    %dot_general3A_80 = tpu.matmul %reshape3A_73, %get3A_78, %dot_general3A_79 {dimension_numbers = #tpu.dot_dimension_numbers<[1], [0], [0], [1], [0, 0, 1, 1], [], []>, transpose_lhs_hint = false} : vector<8192x200xbf16>, vector<200x200xbf16>, vector<8192x200xf32> -> vector<8192x200xf32>
    %get3A_81 = arith.constant 1 : index
    %get3A_82 = arith.constant 0 : index
    %get3A_83 = arith.constant 0 : index
    %get3A_84 = vector.load %arg17[%get3A_81, %get3A_82, %get3A_83] : memref<20x512x200xbf16, #tpu.memory_space<vmem>>, vector<16x512x200xbf16>
    %reshape3A_85 = vector.shape_cast %get3A_84 : vector<16x512x200xbf16> to vector<8192x200xbf16>
    %get3A_86 = arith.constant 1 : index
    %get3A_87 = arith.constant 0 : index
    %get3A_88 = arith.constant 0 : index
    %get3A_89 = vector.load %arg6[%get3A_86, %get3A_87, %get3A_88] : memref<5x200x200xbf16, #tpu.memory_space<vmem>>, vector<1x200x200xbf16>
    %get3A_90 = vector.shape_cast %get3A_89 : vector<1x200x200xbf16> to vector<200x200xbf16>
    %dot_general3A_91 = arith.constant dense<0.000000e+00> : vector<8192x200xf32>
    %dot_general3A_92 = tpu.matmul %reshape3A_85, %get3A_90, %dot_general3A_91 {dimension_numbers = #tpu.dot_dimension_numbers<[1], [0], [0], [1], [0, 0, 1, 1], [], []>, transpose_lhs_hint = false} : vector<8192x200xbf16>, vector<200x200xbf16>, vector<8192x200xf32> -> vector<8192x200xf32>
    %add3A_93 = arith.addf %dot_general3A_80, %dot_general3A_92 : vector<8192x200xf32>
    %get3A_94 = arith.constant 2 : index
    %get3A_95 = arith.constant 0 : index
    %get3A_96 = arith.constant 0 : index
    %get3A_97 = vector.load %arg17[%get3A_94, %get3A_95, %get3A_96] : memref<20x512x200xbf16, #tpu.memory_space<vmem>>, vector<16x512x200xbf16>
    %reshape3A_98 = vector.shape_cast %get3A_97 : vector<16x512x200xbf16> to vector<8192x200xbf16>
    %get3A_99 = arith.constant 2 : index
    %get3A_100 = arith.constant 0 : index
    %get3A_101 = arith.constant 0 : index
    %get3A_102 = vector.load %arg6[%get3A_99, %get3A_100, %get3A_101] : memref<5x200x200xbf16, #tpu.memory_space<vmem>>, vector<1x200x200xbf16>
    %get3A_103 = vector.shape_cast %get3A_102 : vector<1x200x200xbf16> to vector<200x200xbf16>
    %dot_general3A_104 = arith.constant dense<0.000000e+00> : vector<8192x200xf32>
    %dot_general3A_105 = tpu.matmul %reshape3A_98, %get3A_103, %dot_general3A_104 {dimension_numbers = #tpu.dot_dimension_numbers<[1], [0], [0], [1], [0, 0, 1, 1], [], []>, transpose_lhs_hint = false} : vector<8192x200xbf16>, vector<200x200xbf16>, vector<8192x200xf32> -> vector<8192x200xf32>
    %add3A_106 = arith.addf %add3A_93, %dot_general3A_105 : vector<8192x200xf32>
    %get3A_107 = arith.constant 3 : index
    %get3A_108 = arith.constant 0 : index
    %get3A_109 = arith.constant 0 : index
    %get3A_110 = vector.load %arg17[%get3A_107, %get3A_108, %get3A_109] : memref<20x512x200xbf16, #tpu.memory_space<vmem>>, vector<16x512x200xbf16>
    %reshape3A_111 = vector.shape_cast %get3A_110 : vector<16x512x200xbf16> to vector<8192x200xbf16>
    %get3A_112 = arith.constant 3 : index
    %get3A_113 = arith.constant 0 : index
    %get3A_114 = arith.constant 0 : index
    %get3A_115 = vector.load %arg6[%get3A_112, %get3A_113, %get3A_114] : memref<5x200x200xbf16, #tpu.memory_space<vmem>>, vector<1x200x200xbf16>
    %get3A_116 = vector.shape_cast %get3A_115 : vector<1x200x200xbf16> to vector<200x200xbf16>
    %dot_general3A_117 = arith.constant dense<0.000000e+00> : vector<8192x200xf32>
    %dot_general3A_118 = tpu.matmul %reshape3A_111, %get3A_116, %dot_general3A_117 {dimension_numbers = #tpu.dot_dimension_numbers<[1], [0], [0], [1], [0, 0, 1, 1], [], []>, transpose_lhs_hint = false} : vector<8192x200xbf16>, vector<200x200xbf16>, vector<8192x200xf32> -> vector<8192x200xf32>
    %add3A_119 = arith.addf %add3A_106, %dot_general3A_118 : vector<8192x200xf32>
    %get3A_120 = arith.constant 4 : index
    %get3A_121 = arith.constant 0 : index
    %get3A_122 = arith.constant 0 : index
    %get3A_123 = vector.load %arg17[%get3A_120, %get3A_121, %get3A_122] : memref<20x512x200xbf16, #tpu.memory_space<vmem>>, vector<16x512x200xbf16>
    %reshape3A_124 = vector.shape_cast %get3A_123 : vector<16x512x200xbf16> to vector<8192x200xbf16>
    %get3A_125 = arith.constant 4 : index
    %get3A_126 = arith.constant 0 : index
    %get3A_127 = arith.constant 0 : index
    %get3A_128 = vector.load %arg6[%get3A_125, %get3A_126, %get3A_127] : memref<5x200x200xbf16, #tpu.memory_space<vmem>>, vector<1x200x200xbf16>
    %get3A_129 = vector.shape_cast %get3A_128 : vector<1x200x200xbf16> to vector<200x200xbf16>
    %dot_general3A_130 = arith.constant dense<0.000000e+00> : vector<8192x200xf32>
    %dot_general3A_131 = tpu.matmul %reshape3A_124, %get3A_129, %dot_general3A_130 {dimension_numbers = #tpu.dot_dimension_numbers<[1], [0], [0], [1], [0, 0, 1, 1], [], []>, transpose_lhs_hint = false} : vector<8192x200xbf16>, vector<200x200xbf16>, vector<8192x200xf32> -> vector<8192x200xf32>
    %add3A_132 = arith.addf %add3A_119, %dot_general3A_131 : vector<8192x200xf32>
    %get3A_133 = arith.constant 0 : index
    %get3A_134 = arith.constant 0 : index
    %get3A_135 = vector.load %arg7[%get3A_133, %get3A_134] : memref<1x200xf32, #tpu.memory_space<vmem>>, vector<1x200xf32>
    %get3A_136 = vector.shape_cast %get3A_135 : vector<1x200xf32> to vector<200xf32>
    %broadcast_in_dim3A_137 = vector.shape_cast %get3A_136 : vector<200xf32> to vector<1x200xf32>
    %add3A_138 = vector.broadcast %broadcast_in_dim3A_137 : vector<1x200xf32> to vector<8192x200xf32>
    %add3A_139 = arith.addf %add3A_132, %add3A_138 : vector<8192x200xf32>
    %max3A_140 = arith.constant 0.000000e+00 : f32
    %max3A_141 = vector.broadcast %max3A_140 : f32 to vector<8192x200xf32>
    %max3A_142 = arith.maximumf %add3A_139, %max3A_141 : vector<8192x200xf32>
    %reshape3A_143 = vector.shape_cast %max3A_142 : vector<8192x200xf32> to vector<16x512x200xf32>
    %reduce_max3A = arith.constant dense<0xFF800000> : vector<512x200xf32>
    %reduce_max3A_144 = vector.multi_reduction <maximumf>, %reshape3A_143, %reduce_max3A [0] : vector<16x512x200xf32> to vector<512x200xf32>
    %concatenate3A = tpu.concatenate %add3A, %reduce_max3A_144 in 1 : vector<512x300xf32>, vector<512x200xf32> -> vector<512x500xf32>
    %convert_element_type3A_145 = arith.truncf %concatenate3A : vector<512x500xf32> to vector<512x500xbf16>
    %get3A_146 = arith.constant 0 : index
    %get3A_147 = arith.constant 0 : index
    %get3A_148 = vector.load %arg8[%get3A_146, %get3A_147] : memref<500x500xbf16, #tpu.memory_space<vmem>>, vector<500x500xbf16>
    %dot_general3A_149 = arith.constant dense<0.000000e+00> : vector<512x500xf32>
    %dot_general3A_150 = tpu.matmul %convert_element_type3A_145, %get3A_148, %dot_general3A_149 {dimension_numbers = #tpu.dot_dimension_numbers<[1], [0], [0], [1], [0, 0, 1, 1], [], []>, transpose_lhs_hint = false} : vector<512x500xbf16>, vector<500x500xbf16>, vector<512x500xf32> -> vector<512x500xf32>
    %get3A_151 = arith.constant 0 : index
    %get3A_152 = arith.constant 0 : index
    %get3A_153 = vector.load %arg9[%get3A_151, %get3A_152] : memref<1x500xf32, #tpu.memory_space<vmem>>, vector<1x500xf32>
    %get3A_154 = vector.shape_cast %get3A_153 : vector<1x500xf32> to vector<500xf32>
    %broadcast_in_dim3A_155 = vector.shape_cast %get3A_154 : vector<500xf32> to vector<1x500xf32>
    %add3A_156 = vector.broadcast %broadcast_in_dim3A_155 : vector<1x500xf32> to vector<512x500xf32>
    %add3A_157 = arith.addf %dot_general3A_150, %add3A_156 : vector<512x500xf32>
    %logistic3A = arith.negf %add3A_157 : vector<512x500xf32>
    %logistic3A_158 = math.exp %logistic3A : vector<512x500xf32>
    %logistic3A_159 = arith.constant 1.000000e+00 : f32
    %logistic3A_160 = vector.broadcast %logistic3A_159 : f32 to vector<512x500xf32>
    %logistic3A_161 = arith.addf %logistic3A_160, %logistic3A_158 : vector<512x500xf32>
    %logistic3A_162 = arith.divf %logistic3A_160, %logistic3A_161 : vector<512x500xf32>
    %get3A_163 = arith.constant 0 : index
    %get3A_164 = arith.constant 0 : index
    %get3A_165 = vector.load %arg10[%get3A_163, %get3A_164] : memref<500x500xbf16, #tpu.memory_space<vmem>>, vector<500x500xbf16>
    %dot_general3A_166 = arith.constant dense<0.000000e+00> : vector<512x500xf32>
    %dot_general3A_167 = tpu.matmul %convert_element_type3A_145, %get3A_165, %dot_general3A_166 {dimension_numbers = #tpu.dot_dimension_numbers<[1], [0], [0], [1], [0, 0, 1, 1], [], []>, transpose_lhs_hint = false} : vector<512x500xbf16>, vector<500x500xbf16>, vector<512x500xf32> -> vector<512x500xf32>
    %get3A_168 = arith.constant 0 : index
    %get3A_169 = arith.constant 0 : index
    %get3A_170 = vector.load %arg11[%get3A_168, %get3A_169] : memref<1x500xf32, #tpu.memory_space<vmem>>, vector<1x500xf32>
    %get3A_171 = vector.shape_cast %get3A_170 : vector<1x500xf32> to vector<500xf32>
    %broadcast_in_dim3A_172 = vector.shape_cast %get3A_171 : vector<500xf32> to vector<1x500xf32>
    %add3A_173 = vector.broadcast %broadcast_in_dim3A_172 : vector<1x500xf32> to vector<512x500xf32>
    %add3A_174 = arith.addf %dot_general3A_167, %add3A_173 : vector<512x500xf32>
    %max3A_175 = arith.constant 0.000000e+00 : f32
    %max3A_176 = vector.broadcast %max3A_175 : f32 to vector<512x500xf32>
    %max3A_177 = arith.maximumf %add3A_174, %max3A_176 : vector<512x500xf32>
    %mul3A_178 = arith.mulf %max3A_177, %logistic3A_162 : vector<512x500xf32>
    %sub3A_179 = arith.constant 1.000000e+00 : f32
    %sub3A_180 = vector.broadcast %sub3A_179 : f32 to vector<512x500xf32>
    %sub3A_181 = arith.subf %sub3A_180, %logistic3A_162 : vector<512x500xf32>
    %mul3A_182 = arith.mulf %concatenate3A, %sub3A_181 : vector<512x500xf32>
    %add3A_183 = arith.addf %mul3A_178, %mul3A_182 : vector<512x500xf32>
    %convert_element_type3A_184 = arith.truncf %add3A_183 : vector<512x500xf32> to vector<512x500xbf16>
    %get3A_185 = arith.constant 0 : index
    %get3A_186 = arith.constant 0 : index
    %get3A_187 = vector.load %arg12[%get3A_185, %get3A_186] : memref<500x500xbf16, #tpu.memory_space<vmem>>, vector<500x500xbf16>
    %dot_general3A_188 = arith.constant dense<0.000000e+00> : vector<512x500xf32>
    %dot_general3A_189 = tpu.matmul %convert_element_type3A_184, %get3A_187, %dot_general3A_188 {dimension_numbers = #tpu.dot_dimension_numbers<[1], [0], [0], [1], [0, 0, 1, 1], [], []>, transpose_lhs_hint = false} : vector<512x500xbf16>, vector<500x500xbf16>, vector<512x500xf32> -> vector<512x500xf32>
    %get3A_190 = arith.constant 0 : index
    %get3A_191 = arith.constant 0 : index
    %get3A_192 = vector.load %arg13[%get3A_190, %get3A_191] : memref<1x500xf32, #tpu.memory_space<vmem>>, vector<1x500xf32>
    %get3A_193 = vector.shape_cast %get3A_192 : vector<1x500xf32> to vector<500xf32>
    %broadcast_in_dim3A_194 = vector.shape_cast %get3A_193 : vector<500xf32> to vector<1x500xf32>
    %add3A_195 = vector.broadcast %broadcast_in_dim3A_194 : vector<1x500xf32> to vector<512x500xf32>
    %add3A_196 = arith.addf %dot_general3A_189, %add3A_195 : vector<512x500xf32>
    %logistic3A_197 = arith.negf %add3A_196 : vector<512x500xf32>
    %logistic3A_198 = math.exp %logistic3A_197 : vector<512x500xf32>
    %logistic3A_199 = arith.constant 1.000000e+00 : f32
    %logistic3A_200 = vector.broadcast %logistic3A_199 : f32 to vector<512x500xf32>
    %logistic3A_201 = arith.addf %logistic3A_200, %logistic3A_198 : vector<512x500xf32>
    %logistic3A_202 = arith.divf %logistic3A_200, %logistic3A_201 : vector<512x500xf32>
    %get3A_203 = arith.constant 0 : index
    %get3A_204 = arith.constant 0 : index
    %get3A_205 = vector.load %arg14[%get3A_203, %get3A_204] : memref<500x500xbf16, #tpu.memory_space<vmem>>, vector<500x500xbf16>
    %dot_general3A_206 = arith.constant dense<0.000000e+00> : vector<512x500xf32>
    %dot_general3A_207 = tpu.matmul %convert_element_type3A_184, %get3A_205, %dot_general3A_206 {dimension_numbers = #tpu.dot_dimension_numbers<[1], [0], [0], [1], [0, 0, 1, 1], [], []>, transpose_lhs_hint = false} : vector<512x500xbf16>, vector<500x500xbf16>, vector<512x500xf32> -> vector<512x500xf32>
    %get3A_208 = arith.constant 0 : index
    %get3A_209 = arith.constant 0 : index
    %get3A_210 = vector.load %arg15[%get3A_208, %get3A_209] : memref<1x500xf32, #tpu.memory_space<vmem>>, vector<1x500xf32>
    %get3A_211 = vector.shape_cast %get3A_210 : vector<1x500xf32> to vector<500xf32>
    %broadcast_in_dim3A_212 = vector.shape_cast %get3A_211 : vector<500xf32> to vector<1x500xf32>
    %add3A_213 = vector.broadcast %broadcast_in_dim3A_212 : vector<1x500xf32> to vector<512x500xf32>
    %add3A_214 = arith.addf %dot_general3A_207, %add3A_213 : vector<512x500xf32>
    %max3A_215 = arith.constant 0.000000e+00 : f32
    %max3A_216 = vector.broadcast %max3A_215 : f32 to vector<512x500xf32>
    %max3A_217 = arith.maximumf %add3A_214, %max3A_216 : vector<512x500xf32>
    %mul3A_218 = arith.mulf %max3A_217, %logistic3A_202 : vector<512x500xf32>
    %sub3A_219 = arith.constant 1.000000e+00 : f32
    %sub3A_220 = vector.broadcast %sub3A_219 : f32 to vector<512x500xf32>
    %sub3A_221 = arith.subf %sub3A_220, %logistic3A_202 : vector<512x500xf32>
    %mul3A_222 = arith.mulf %add3A_183, %sub3A_221 : vector<512x500xf32>
    %add3A_223 = arith.addf %mul3A_218, %mul3A_222 : vector<512x500xf32>
    %swap3A_224 = arith.constant 0 : index
    %swap3A_225 = arith.constant 0 : index
    %swap3A_226 = vector.load %arg16[%swap3A_224, %swap3A_225] : memref<512x500xf32, #tpu.memory_space<vmem>>, vector<512x500xf32>
    tpu.vector_store %arg16[%swap3A_224, %swap3A_225], %add3A_223 {strides = array<i32>} : memref<512x500xf32, #tpu.memory_space<vmem>>, vector<512x500xf32>,
    return
  }
  func.func @transform_0(%arg0: i32) -> (i32, i32) {
    %c0_i32 = arith.constant 0 : i32
    %c0_i32_0 = arith.constant 0 : i32
    return %arg0, %c0_i32 : i32, i32
  }
  func.func @transform_1(%arg0: i32) -> (i32, i32, i32) {
    %c0_i32 = arith.constant 0 : i32
    %c0_i32_0 = arith.constant 0 : i32
    %c0_i32_1 = arith.constant 0 : i32
    return %arg0, %c0_i32, %c0_i32_0 : i32, i32, i32
  }
  func.func @transform_2(%arg0: i32) -> (i32, i32, i32) {
    %c0_i32 = arith.constant 0 : i32
    %c0_i32_0 = arith.constant 0 : i32
    %c0_i32_1 = arith.constant 0 : i32
    return %arg0, %c0_i32, %c0_i32_0 : i32, i32, i32
  }
  func.func @transform_3(%arg0: i32) -> (i32, i32) {
    %c0_i32 = arith.constant 0 : i32
    %c0_i32_0 = arith.constant 0 : i32
    %c0_i32_1 = arith.constant 0 : i32
    return %c0_i32, %c0_i32_0 : i32, i32
  }
  func.func @transform_4(%arg0: i32) -> (i32, i32) {
    %c0_i32 = arith.constant 0 : i32
    %c0_i32_0 = arith.constant 0 : i32
    %c0_i32_1 = arith.constant 0 : i32
    return %c0_i32, %c0_i32_0 : i32, i32
  }
  func.func @transform_5(%arg0: i32) -> (i32, i32, i32) {
    %c0_i32 = arith.constant 0 : i32
    %c0_i32_0 = arith.constant 0 : i32
    %c0_i32_1 = arith.constant 0 : i32
    %c0_i32_2 = arith.constant 0 : i32
    return %c0_i32, %c0_i32_0, %c0_i32_1 : i32, i32, i32
  }
  func.func @transform_6(%arg0: i32) -> (i32, i32) {
    %c0_i32 = arith.constant 0 : i32
    %c0_i32_0 = arith.constant 0 : i32
    %c0_i32_1 = arith.constant 0 : i32
    return %c0_i32, %c0_i32_0 : i32, i32
  }
  func.func @transform_7(%arg0: i32) -> (i32, i32) {
    %c0_i32 = arith.constant 0 : i32
    %c0_i32_0 = arith.constant 0 : i32
    %c0_i32_1 = arith.constant 0 : i32
    return %c0_i32, %c0_i32_0 : i32, i32
  }
  func.func @transform_8(%arg0: i32) -> (i32, i32) {
    %c0_i32 = arith.constant 0 : i32
    %c0_i32_0 = arith.constant 0 : i32
    %c0_i32_1 = arith.constant 0 : i32
    return %c0_i32, %c0_i32_0 : i32, i32
  }
  func.func @transform_9(%arg0: i32) -> (i32, i32) {
    %c0_i32 = arith.constant 0 : i32
    %c0_i32_0 = arith.constant 0 : i32
    %c0_i32_1 = arith.constant 0 : i32
    return %c0_i32, %c0_i32_0 : i32, i32
  }
  func.func @transform_10(%arg0: i32) -> (i32, i32) {
    %c0_i32 = arith.constant 0 : i32
    %c0_i32_0 = arith.constant 0 : i32
    %c0_i32_1 = arith.constant 0 : i32
    return %c0_i32, %c0_i32_0 : i32, i32
  }
  func.func @transform_11(%arg0: i32) -> (i32, i32) {
    %c0_i32 = arith.constant 0 : i32
    %c0_i32_0 = arith.constant 0 : i32
    %c0_i32_1 = arith.constant 0 : i32
    return %c0_i32, %c0_i32_0 : i32, i32
  }
  func.func @transform_12(%arg0: i32) -> (i32, i32) {
    %c0_i32 = arith.constant 0 : i32
    %c0_i32_0 = arith.constant 0 : i32
    %c0_i32_1 = arith.constant 0 : i32
    return %c0_i32, %c0_i32_0 : i32, i32
  }
  func.func @transform_13(%arg0: i32) -> (i32, i32) {
    %c0_i32 = arith.constant 0 : i32
    %c0_i32_0 = arith.constant 0 : i32
    %c0_i32_1 = arith.constant 0 : i32
    return %c0_i32, %c0_i32_0 : i32, i32
  }
  func.func @transform_14(%arg0: i32) -> (i32, i32) {
    %c0_i32 = arith.constant 0 : i32
    %c0_i32_0 = arith.constant 0 : i32
    %c0_i32_1 = arith.constant 0 : i32
    return %c0_i32, %c0_i32_0 : i32, i32
  }
  func.func @transform_15(%arg0: i32) -> (i32, i32) {
    %c0_i32 = arith.constant 0 : i32
    %c0_i32_0 = arith.constant 0 : i32
    return %arg0, %c0_i32 : i32, i32
  }
}

</mosaic_0001>

<sc_bundles>
// kernel: kernel.5.cloned.1.call-start
scs
__scs_entry_jumppad:
0x0: {  	(pc) =	sbr.rel $0x88, $3  }
0x1: {  	(tag) =	ssettag $0x0;
	lr =	simm.s32 $0x1  }
0x2: {  	[smem:$0x3F92] =	sst lr;
	_ =	strace $0xD0000000  }
0x3: {  	_ = 	snop  }
0x4: {  	_ = 	snop  }
0x5: {  	_ = 	snop  }
0x6: {  	_ = 	snop  }
0x7: {  	_ = 	snop  }
__scs_overlays_trampoline_lowered:
0x8: {  	[smem:$0x3FA1] =	sst s0  }
0x9: {  	[smem:$0x3FA2] =	sst s1  }
0xa: {  	[smem:$0x3FA3] =	sst s2  }
0xb: {  	[smem:$0x3FA4] =	sst s3  }
0xc: {  	[smem:$0x3FA5] =	sst s4  }
0xd: {  	[smem:$0x3FA6] =	sst s5  }
0xe: {  	[smem:$0x3FA7] =	sst s6  }
0xf: {  	[smem:$0x3FA8] =	sst s7  }
0x10: {  	[smem:$0x3FA9] =	sst s8  }
0x11: {  	[smem:$0x3FAA] =	sst s9;
	s0 =	simm.s32 @!p0 $0x0  }
0x12: {  	s1 =	sld [smem:$0x3F90];
	s0 =	simm.s32 @p0 $0x1  }
0x13: {  	[smem:$0x3FAB] =	sst s0;
	s0 =	simm.s32 @!p1 $0x0  }
0x14: {  	s2 =	sld [smem:$0x3F8F];
	s0 =	simm.s32 @p1 $0x1  }
0x15: {  	[smem:$0x3FAC] =	sst s0;
	s0 =	simm.s32 @!p2 $0x0  }
0x16: {  	s3 =	sld [smem:$0x3FDB];
	s0 =	simm.s32 @p2 $0x1  }
0x17: {  	s4 =	simm.s32 $0x1BF5;
	[smem:$0x3FAE] =	sst s0  }
0x18: {  	s0 =	sld [smem:$0x3F91];
	_ =	swait.ge [sflag:s4], $0x0  }
0x19: {  	s7 =	sld [smem:$0x3F92]  }
0x1a: {  	s8 =	sadd.s32 $0xFFFFE003, lr  }
0x1b: {  	s9 =	sadd.s32 $0xFFFFFEF7, lr;
	s5 =	simm.s32 $0xFFFFFFFF;
	p2 =	slt.u32 s8, $0xFFFFF086  }
0x1c: {  	p1 =	slt.u32 s9, $0xF7A;
	s5 =	simm.s32 @!p2 $0x0  }
0x1d: {  	s5 =	simm.s32 @p1 $0x1;
	p0 =	seq.s32 s7, s2  }
0x1e: {  	s7 =	smul.u32 @!p0 $0xF7A, s2;
	p2 =	seq.s32 @!p0 s5, $0x0  }
0x1f: {  	s9 =	smul.u32 $0xF7A, s1;
	s8 =	simm.s32 @!p0 $0x1BF5;
	p2 =	por !p2, p0  }
0x20: {  	[sflag:s8] =	ssyncset.s32 @!p0 $0xFFFFF086;
	s6 =	sadd.s32 @!p0 s3, s7;
	s7 =	simm.s32 @!p0 $0x108  }
0x21: {  	s3 =	sadd.s32 s3, s9;
	s6 =	sadd.s32 @!p0 $0x88, s6;
	s7 =	simm.s32 @p2 $0x1082  }
0x22: {  	[simem:s7], [sflag:s8] =	dma.local @!p0 [hbm:s6], $0xF7A  }
0x23: {  	s9 =	sor.u32 $0xD0000000, s2;
	s6 =	simm.s32 $0x108;
	_ =	swait.ge @!p0 [sflag:s8], $0x0  }
0x24: {  	s3 =	sadd.s32 $0x88, s3;
	s6 =	simm.s32 @!p1 $0x1082;
	[sflag:s4] =	ssyncset.s32 $0xFFFFF086  }
0x25: {  	[simem:s6], [sflag:s4] =	dma.local [hbm:s3], $0xF7A  }
0x26: {  	[smem:$0x3F92] =	sst s1;
	(tag) =	ssettag s2;
	_ =	strace s9  }
0x27: {  	s1 =	sld [smem:$0x3FA2]  }
0x28: {  	s2 =	sld [smem:$0x3FA3]  }
0x29: {  	s4 =	sld [smem:$0x3FA5]  }
0x2a: {  	p0 =	seq.s32 s5, $0x0;
	s5 =	sld [smem:$0x3FA6]  }
0x2b: {  	s6 =	sld [smem:$0x3FA7]  }
0x2c: {  	s7 =	sld [smem:$0x3FA8]  }
0x2d: {  	s3 =	simm.s32 $0x108;
	s8 =	sld [smem:$0x3FA9]  }
0x2e: {  	s3 =	simm.s32 @!p0 $0x1082;
	s9 =	sld [smem:$0x3FAA]  }
0x2f: {  	lr =	sadd.s32 s0, s3;
	s0 =	sld [smem:$0x3FA1]  }
0x30: {  	s3 =	sld [smem:$0x3FA4]  }
0x31: {  	[smem:$0x3FAD] =	sst s10  }
0x32: {  	s10 =	sld [smem:$0x3FAB];
	_ =	sdelay $0x3  }
0x33: {  	p0 =	seq.s32 s10, $0x1;
	s10 =	sld [smem:$0x3FAD];
	_ =	sdelay $0x3  }
0x34: {  	[smem:$0x3FAD] =	sst s10  }
0x35: {  	s10 =	sld [smem:$0x3FAC];
	_ =	sdelay $0x3  }
0x36: {  	p1 =	seq.s32 s10, $0x1;
	s10 =	sld [smem:$0x3FAD];
	_ =	sdelay $0x3  }
0x37: {  	[smem:$0x3FAD] =	sst s10  }
0x38: {  	s10 =	sld [smem:$0x3FAE]  }
0x39: {  	_ = 	snop;
	(pc) =	sbr.ind lr, $3  }
0x3a: {  	_ = 	snop  }
0x3b: {  	_ = 	snop  }
0x3c: {  	p2 =	seq.s32 s10, $0x1;
	s10 =	sld [smem:$0x3FAD]  }
0x3d: {  	_ =	shalt  }
0x3e: {  	_ =	shalt  }
0x3f: {  	_ =	shalt  }
0x40: {  	_ =	shalt  }
0x41: {  	_ =	shalt  }
0x42: {  	_ =	shalt  }
0x43: {  	_ =	shalt  }
0x44: {  	_ =	shalt  }
0x45: {  	_ =	shalt  }
0x46: {  	_ =	shalt  }
0x47: {  	_ =	shalt  }
0x48: {  	_ =	shalt  }
0x49: {  	_ =	shalt  }
0x4a: {  	_ =	shalt  }
0x4b: {  	_ =	shalt  }
0x4c: {  	_ =	shalt  }
0x4d: {  	_ =	shalt  }
0x4e: {  	_ =	shalt  }
0x4f: {  	_ =	shalt  }
0x50: {  	_ =	shalt  }
0x51: {  	_ =	shalt  }
0x52: {  	_ =	shalt  }
0x53: {  	_ =	shalt  }
0x54: {  	_ =	shalt  }
0x55: {  	_ =	shalt  }
0x56: {  	_ =	shalt  }
0x57: {  	_ =	shalt  }
0x58: {  	_ =	shalt  }
0x59: {  	_ =	shalt  }
0x5a: {  	_ =	shalt  }
0x5b: {  	_ =	shalt  }
0x5c: {  	_ =	shalt  }
0x5d: {  	_ =	shalt  }
0x5e: {  	_ =	shalt  }
0x5f: {  	_ =	shalt  }
0x60: {  	_ =	shalt  }
0x61: {  	_ =	shalt  }
0x62: {  	_ =	shalt  }
0x63: {  	_ =	shalt  }
0x64: {  	_ =	shalt  }
0x65: {  	_ =	shalt  }
0x66: {  	_ =	shalt  }
0x67: {  	_ =	shalt  }
0x68: {  	_ =	shalt  }
0x69: {  	_ =	shalt  }
0x6a: {  	_ =	shalt  }
0x6b: {  	_ =	shalt  }
0x6c: {  	_ =	shalt  }
0x6d: {  	_ =	shalt  }
0x6e: {  	_ =	shalt  }
0x6f: {  	_ =	shalt  }
0x70: {  	_ =	shalt  }
0x71: {  	_ =	shalt  }
0x72: {  	_ =	shalt  }
0x73: {  	_ =	shalt  }
0x74: {  	_ =	shalt  }
0x75: {  	_ =	shalt  }
0x76: {  	_ =	shalt  }
0x77: {  	_ =	shalt  }
0x78: {  	_ =	shalt  }
0x79: {  	_ =	shalt  }
0x7a: {  	_ =	shalt  }
0x7b: {  	_ =	shalt  }
0x7c: {  	_ =	shalt  }
0x7d: {  	_ =	shalt  }
0x7e: {  	_ =	shalt  }
0x7f: {  	_ =	shalt  }
0x80: {  	_ =	shalt  }
0x81: {  	_ =	shalt  }
0x82: {  	_ =	shalt  }
0x83: {  	_ =	shalt  }
0x84: {  	_ =	shalt  }
0x85: {  	_ =	shalt  }
0x86: {  	_ =	shalt  }
0x87: {  	_ =	shalt  }
.Lfunc_end0:
.L_simem_size_0:
called_computation_lowered:
.L_overlay_start_0:
0x88: {  	s2 =	sld [smem:$0x3FD9]  }
0x89: {  	s3 =	sld [smem:$0x3FFE];
	_ =	sdelay $0x1  }
0x8a: {  	s1 =	srdreg.scid  }
0x8b: {  	s0 =	sand.u32 $0x1, s1  }
0x8c: {  	s17 =	sshll.u32 s0, $0xA;
	s2 =	sadd.s32 s3, s2  }
0x8d: {  	s2 =	sadd.s32 s2, s17  }
0x8e: {  	[smem:$0x3FB9] =	sst s2  }
0x8f: {  	_ = 	snop  }
0x90: {  	s2 =	sld [smem:$0x3FD0];
	(tm) =	ssettm $0x1  }
0x91: {  	s18 =	sld [smem:$0x3FFB];
	_ =	sdelay $0x3  }
0x92: {  	_ =	strace s18  }
0x93: {  	s3 =	sld [smem:$0x3FFC];
	_ =	sdelay $0x3  }
0x94: {  	_ =	strace s3  }
0x95: {  	s3 =	sld [smem:$0x3FFD];
	_ =	sdelay $0x3  }
0x96: {  	_ =	strace s3  }
0x97: {  	_ =	strace $0x8FFFFFFF  }
0x98: {  	s19 =	sld [smem:$0x3FDB];
	_ =	sdelay $0x1  }
0x99: {  	s4 =	simm.s32 $_scs_section_size  }
0x9a: {  	s5 =	simm.s32 $_size__tile_overlayer_lowered;
	s6 =	simm.s32 $_tile_overlayer_lowered  }
0x9b: {  	s22 =	simm.s32 $0x1BFF;
	s21 =	sshll.u32 s6, $0x1;
	s3 =	sadd.s32 s4, s19  }
0x9c: {  	s7 =	simm.s32 $0x0;
	s20 =	sshll.u32 s5, $0x1;
	s5 =	sadd.s32 s21, s3  }
0x9d: {  	[timem:s7], [sflag:s22] =	dma.local [hbm:s5], s20  }
0x9e: {  	_ =	swait.ge [sflag:s22], s20  }
0x9f: {  	s4 =	ssub.s32 $0x0, s20;
	[sflag:s22] =	ssyncset.done $0x0  }
0xa0: {  	[sflag:s22] =	ssyncadd.s32 s4;
	_ =	sdelay $0x1  }
0xa1: {  	s23 =	simm.s32 $0x1B8B  }
0xa2: {  	_ =	swait.ge [sflag:s23], $0x1  }
0xa3: {  	[sflag:s23] =	ssyncset.done $0x0  }
0xa4: {  	s25 =	simm.s32 $0x1B8E;
	s24 =	sld [smem:$0x3FFE];
	[sflag:s23] =	ssyncadd.s32 $0xFFFFFFFF  }
0xa5: {  	s26 =	simm.s32 $execute0_lowered;
	[smem:$0x3FD2] =	sst s25  }
0xa6: {  	s5 =	sshll.u32 s26, $0x1;
	_ =	strace $0x80000046;
	[dreg:$0x1] =	wrdreg $0xFFFFFFFF  }
0xa7: {  	s28 =	simm.s32 $_size_execute0_lowered;
	s3 =	sadd.s32 s3, s5;
	[dreg:$0x0] =	wrdreg $0x0  }
0xa8: {  	s5 =	sshll.u32 s28, $0x1;
	[dreg:$0x2] =	wrdreg s3  }
0xa9: {  	[dreg:$0x3] =	wrdreg s5  }
0xaa: {  	[dreg:$0x4] =	wrdreg $0xC0  }
0xab: {  	_ =	task [dreg:s7], $0x5FFFF  }
0xac: {  	[dreg:$0x1] =	wrdreg $0xFFFFFFFF  }
0xad: {  	[dreg:$0x0] =	wrdreg $0x60  }
0xae: {  	[dreg:$0x2] =	wrdreg s24  }
0xaf: {  	[dreg:$0x3] =	wrdreg s2  }
0xb0: {  	[dreg:$0x4] =	wrdreg $0x9  }
0xb1: {  	_ =	task.clear_ibuf [dreg:s7], $0x5FFFF;
	_ =	strace $0x90000046  }
0xb2: {  	s29 =	simm.s32 $0x9;
	_ =	strace $0x80000048  }
0xb3: {  	_ =	swait.ge [sflag:s29], $0x1  }
0xb4: {  	[sflag:s29] =	ssyncadd.s32 $0xFFFFFFFF  }
0xb5: {  	_ =	strace $0x90000048  }
0xb6: {  	_ =	sfence  }
0xb7: {  	s30 =	sld [smem:$0x0];
	_ =	sdelay $0x2  }
0xb8: {  	s31 =	sshll.u32 s1, $0xD;
	s1 =	sshrl.u32 s1, $0x2  }
0xb9: {  	s3 =	sand.u32 $0x4000, s31;
	s1 =	sadd.s32 s1, s30  }
0xba: {  	s0 =	sor.u32 s3, s0;
	s1 =	sshll.u32 s1, $0x11  }
0xbb: {  	s0 =	sor.u32 s1, s0  }
0xbc: {  	s0 =	sadd.s32 $0x8F2B, s0  }
0xbd: {  	[sflag:s0] =	ssyncadd.remote.s32 $0x1  }
0xbe: {  	_ =	sfence.sel $0xFFFF  }
0xbf: {  	[dreg:$0x0] =	wrdreg $0xFFFFFFFF;
	(pc) =	sbr.abs _section_cstart, $3  }
0xc0: {  	[dreg:$0x1] =	wrdreg $0xFFFFFFFF  }
0xc1: {  	_ =	task.clear_ibuf [dreg:s7], $0x2FFFF;
	_ =	strace $0x9FFFFFFF  }
0xc2: {  	(tm) =	ssettm $0x7FFFFFFF  }
0xc3: {  	_ =	shalt  }
tec
execute0_lowered:
.L_overlay_start_1:
0x0: {  	(tag) =	ssettag $0x1  }
0x1: {  	s0 =	srdreg.scid;
	s1 =	rddreg [dreg:$0x0]  }
0x2: {  	s2 =	stileid.u32;
	s5 =	rddreg [dreg:$0x1]  }
0x3: {  	s12 =	simm.s32 $0x3;
	s0 =	sand.u32 $0x1, s0;
	s2 =	sshll.u32 s2, $0x1  }
0x4: {  	s30 =	simm.s32 $0x1;
	s31 =	simm.s32 $0x2;
	s3 =	sor.u32 s0, s2  }
0x5: {  	s28 =	simm.s32 $0x8C00;
	s29 =	simm.s32 $0x9C00;
	s3 =	smul.u32 $0x190, s3  }
0x6: {  	s4 =	sadd.s32 $0x496200, s1;
	s2 =	simm.s32 $0x0;
	s0 =	ssub.s32 $0x2, s0  }
0x7: {  	[smem:$0x7FF] =	sst s2;
	s7 =	sshrl.u32 s0, $0x1;
	s6 =	sshrl.u32 s3, $0x3  }
0x8: {  	_ =	strace $0x80000047;
	s0 =	ssub.s32 s0, s7;
	s9 =	sadd.s32 s5, s6  }
0x9: {  	s3 =	sadd.s32 $0x2200, s1;
	s5 =	sadd.s32 $0xA, s9;
	[dreg:$0xc] =	wrdreg s9  }
0xa: {  	s1 =	sadd.s32 $0x61CE00, s1;
	s13 =	sadd.s32 $0x14, s9;
	[dreg:$0x3] =	wrdreg s5  }
0xb: {  	s6 =	smul.u32 $0xC00, s6;
	s14 =	sadd.s32 $0x1E, s9;
	[dreg:$0x4] =	wrdreg s13  }
0xc: {  	s11 =	smax.u32 s0, $0x1;
	s9 =	sadd.s32 $0x28, s9;
	[dreg:$0x5] =	wrdreg s14  }
0xd: {  	s15 =	sshrl.u32 s6, $0x3;
	s8 =	sadd.s32 $0x7800, s6;
	[dreg:$0x6] =	wrdreg s9  }
0xe: {  	s18 =	sadd.s32 $0xF000, s6;
	s20 =	sadd.s32 $0x16800, s6;
	s6 =	sadd.s32 $0x1E000, s6  }
0xf: {  	s9 =	simm.s32 $0x6C00;
	s14 =	simm.s32 $0x9400;
	s13 =	simm.s32 $0xCC00  }
0x10: {  	s10 =	sadd.s32 s1, s15;
	s16 =	sshrl.u32 s8, $0x3;
	s19 =	sshrl.u32 s18, $0x3  }
0x11: {  	s22 =	sshrl.u32 s20, $0x3;
	s25 =	sshrl.u32 s6, $0x3;
	s18 =	simm.s32 $0xC00  }
0x12: {  	s20 =	simm.s32 $0xA400;
	[dreg:$0xd] =	wrdreg s10;
	s17 =	sadd.s32 $0x100, s10  }
0x13: {  	s8 =	simm.s32 $0x6400;
	s5 =	sadd.s32 s1, s16;
	[dreg:$0x7] =	wrdreg s17  }
0x14: {  	s15 =	simm.s32 $0x8400;
	s21 =	sadd.s32 s1, s19;
	[dreg:$0xe] =	wrdreg s5  }
0x15: {  	s24 =	sadd.s32 s1, s22;
	s1 =	sadd.s32 s1, s25;
	[dreg:$0xf] =	wrdreg s21  }
0x16: {  	s22 =	simm.s32 $0x2400;
	s25 =	simm.s32 $0x3C00;
	[dreg:$0x10] =	wrdreg s24  }
0x17: {  	s16 =	simm.s32 $0x5C00;
	s5 =	sadd.s32 $0x100, s5;
	[dreg:$0x11] =	wrdreg s1  }
0x18: {  	s10 =	simm.s32 $0x7400;
	s23 =	sadd.s32 $0x100, s21;
	[dreg:$0x8] =	wrdreg s5  }
0x19: {  	s19 =	simm.s32 $0x7C00;
	s26 =	sadd.s32 $0x100, s24;
	[dreg:$0x9] =	wrdreg s23  }
0x1a: {  	v2 =	vlaneseq.u32;
	s1 =	sadd.s32 $0x100, s1;
	s17 =	simm.s32 $0x400;
	[dreg:$0xa] =	wrdreg s26  }
0x1b: {  	vm0 =	vmmov $0xffff;
	v1 =	vshrl.u32 v2, $0x3;
	s21 =	simm.s32 $0x1C00;
	s24 =	simm.s32 $0x3400;
	[dreg:$0xb] =	wrdreg s1  }
0x1c: {  	v0 =	vand.u32 $0x7, v2;
	v2 =	vor.u32 $0x8, v2;
	v1 =	vmul.u32 $0x8, v1;
	s23 =	simm.s32 $0x2C00;
	s26 =	simm.s32 $0x4400;
	s1 =	simm.s32 $0x50  }
.LBB2_1:
0x1d: {  	s6 =	rddreg [dreg:$0xc]  }
0x1e: {  	[tilespmem:s2], [sflag:$0x3] =	stream.linear.gather [hbm4b:s6+s2], $0x50, $0x38;
	[tilespmem:$0xF400] =	vst v63  }
0x1f: {  	_ =	swait.ge [sflag:s12], $0x50  }
0x20: {  	[sflag:s12] =	ssyncset.done $0x0  }
0x21: {  	s7 =	simm.s32 $0x80;
	s0 =	rddreg [dreg:$0x3];
	[sflag:s12] =	ssyncadd.s32 $0xFFFFFFB0  }
0x22: {  	[tilespmem:s7], [sflag:$0x3] =	stream.linear.gather [hbm4b:s0+s2], $0x50, $0x38;
	[tilespmem:$0xF400] =	vst v63  }
0x23: {  	_ =	swait.ge [sflag:s12], $0x50  }
0x24: {  	[sflag:s12] =	ssyncset.done $0x0  }
0x25: {  	s0 =	simm.s32 $0x100;
	s5 =	rddreg [dreg:$0x4];
	[sflag:s12] =	ssyncadd.s32 $0xFFFFFFB0  }
0x26: {  	[tilespmem:s0], [sflag:$0x3] =	stream.linear.gather [hbm4b:s5+s2], $0x50, $0x38;
	[tilespmem:$0xF400] =	vst v63  }
0x27: {  	_ =	swait.ge [sflag:s12], $0x50  }
0x28: {  	[sflag:s12] =	ssyncset.done $0x0  }
0x29: {  	s5 =	simm.s32 $0x180;
	s0 =	rddreg [dreg:$0x5];
	[sflag:s12] =	ssyncadd.s32 $0xFFFFFFB0  }
0x2a: {  	[tilespmem:s5], [sflag:$0x3] =	stream.linear.gather [hbm4b:s0+s2], $0x50, $0x38;
	[tilespmem:$0xF400] =	vst v63  }
0x2b: {  	_ =	swait.ge [sflag:s12], $0x50  }
0x2c: {  	[sflag:s12] =	ssyncset.done $0x0  }
0x2d: {  	s5 =	simm.s32 $0x200;
	s0 =	rddreg [dreg:$0x6];
	[sflag:s12] =	ssyncadd.s32 $0xFFFFFFB0  }
0x2e: {  	[tilespmem:s5], [sflag:$0x3] =	stream.linear.gather [hbm4b:s0+s2], $0x50, $0x38;
	[tilespmem:$0xF400] =	vst v63  }
0x2f: {  	_ =	swait.ge [sflag:s12], $0x50  }
0x30: {  	[sflag:s12] =	ssyncset.done $0x0  }
0x31: {  	[sflag:s12] =	ssyncadd.s32 $0xFFFFFFB0  }
0x32: {  	v3 =	vld [tilespmem:$0x0];
	_ =	sdelay $0x4  }
0x33: {  	v4 =	vshrl.u32 v3, $0x3  }
0x34: {  	v4 =	vmul.u32 $0x18, v4  }
0x35: {  	v3 =	vand.u32 $0x7, v3  }
0x36: {  	v3 =	vor.u32 v3, v4  }
0x37: {  	v4 =	vperm.xlane v3, v0;
	_ =	sdelay $0x1  }
0x38: {  	v3 =	vperm.xlane v3, v2;
	v4 =	vadd.s32 v1, v4;
	_ =	sdelay $0x1  }
0x39: {  	v3 =	vadd.s32 v1, v3;
	_ =	sdelay $0x2  }
0x3a: {  	[tilespmem:s17], [sflag:$0x1] =	stream.indirect_vreg.gather [hbm4b:s3+s2], $0x80, v4, vm0, $0xb8;
	[tilespmem:$0xF400] =	vst v63  }
0x3b: {  	_ = 	snop  }
0x3c: {  	[tilespmem:s18], [sflag:$0x1] =	stream.indirect_vreg.gather [hbm4b:s3+s2], $0x80, v3, vm0, $0xb8;
	[tilespmem:$0xF400] =	vst v63  }
0x3d: {  	v3 =	vld [tilespmem:$0x10];
	_ =	sdelay $0x4  }
0x3e: {  	v40 =	vshrl.u32 v3, $0x3  }
0x3f: {  	v4 =	vmul.u32 $0x18, v40  }
0x40: {  	v3 =	vand.u32 $0x7, v3  }
0x41: {  	v3 =	vor.u32 v3, v4  }
0x42: {  	v4 =	vperm.xlane v3, v0;
	_ =	sdelay $0x1  }
0x43: {  	v3 =	vperm.xlane v3, v2;
	v4 =	vadd.s32 v1, v4;
	_ =	sdelay $0x1  }
0x44: {  	v3 =	vadd.s32 v1, v3;
	_ =	sdelay $0x1  }
0x45: {  	s5 =	simm.s32 $0x1400  }
0x46: {  	[tilespmem:s5], [sflag:$0x1] =	stream.indirect_vreg.gather [hbm4b:s3+s2], $0x80, v4, vm0, $0xb8;
	[tilespmem:$0xF400] =	vst v63  }
0x47: {  	_ = 	snop  }
0x48: {  	[tilespmem:s21], [sflag:$0x1] =	stream.indirect_vreg.gather [hbm4b:s3+s2], $0x80, v3, vm0, $0xb8;
	[tilespmem:$0xF400] =	vst v63  }
0x49: {  	v3 =	vld [tilespmem:$0x20];
	_ =	sdelay $0x4  }
0x4a: {  	v41 =	vshrl.u32 v3, $0x3  }
0x4b: {  	v4 =	vmul.u32 $0x18, v41  }
0x4c: {  	v3 =	vand.u32 $0x7, v3  }
0x4d: {  	v3 =	vor.u32 v3, v4  }
0x4e: {  	v4 =	vperm.xlane v3, v0;
	_ =	sdelay $0x1  }
0x4f: {  	v3 =	vperm.xlane v3, v2;
	v4 =	vadd.s32 v1, v4;
	_ =	sdelay $0x1  }
0x50: {  	v3 =	vadd.s32 v1, v3;
	_ =	sdelay $0x2  }
0x51: {  	[tilespmem:s22], [sflag:$0x1] =	stream.indirect_vreg.gather [hbm4b:s3+s2], $0x80, v4, vm0, $0xb8;
	[tilespmem:$0xF400] =	vst v63  }
0x52: {  	_ = 	snop  }
0x53: {  	[tilespmem:s23], [sflag:$0x1] =	stream.indirect_vreg.gather [hbm4b:s3+s2], $0x80, v3, vm0, $0xb8;
	[tilespmem:$0xF400] =	vst v63  }
0x54: {  	v3 =	vld [tilespmem:$0x30];
	_ =	sdelay $0x4  }
0x55: {  	v42 =	vshrl.u32 v3, $0x3  }
0x56: {  	v4 =	vmul.u32 $0x18, v42  }
0x57: {  	v3 =	vand.u32 $0x7, v3  }
0x58: {  	v3 =	vor.u32 v3, v4  }
0x59: {  	v4 =	vperm.xlane v3, v0;
	_ =	sdelay $0x1  }
0x5a: {  	v3 =	vperm.xlane v3, v2;
	v4 =	vadd.s32 v1, v4;
	_ =	sdelay $0x1  }
0x5b: {  	v3 =	vadd.s32 v1, v3;
	_ =	sdelay $0x2  }
0x5c: {  	[tilespmem:s24], [sflag:$0x1] =	stream.indirect_vreg.gather [hbm4b:s3+s2], $0x80, v4, vm0, $0xb8;
	[tilespmem:$0xF400] =	vst v63  }
0x5d: {  	_ = 	snop  }
0x5e: {  	[tilespmem:s25], [sflag:$0x1] =	stream.indirect_vreg.gather [hbm4b:s3+s2], $0x80, v3, vm0, $0xb8;
	[tilespmem:$0xF400] =	vst v63  }
0x5f: {  	v3 =	vld [tilespmem:$0x40];
	_ =	sdelay $0x4  }
0x60: {  	v43 =	vshrl.u32 v3, $0x3  }
0x61: {  	v4 =	vmul.u32 $0x18, v43  }
0x62: {  	v3 =	vand.u32 $0x7, v3  }
0x63: {  	v3 =	vor.u32 v3, v4  }
0x64: {  	v4 =	vperm.xlane v3, v0;
	_ =	sdelay $0x1  }
0x65: {  	v3 =	vperm.xlane v3, v2;
	v4 =	vadd.s32 v1, v4;
	_ =	sdelay $0x1  }
0x66: {  	v3 =	vadd.s32 v1, v3;
	_ =	sdelay $0x2  }
0x67: {  	[tilespmem:s26], [sflag:$0x1] =	stream.indirect_vreg.gather [hbm4b:s3+s2], $0x80, v4, vm0, $0xb8;
	[tilespmem:$0xF400] =	vst v63  }
0x68: {  	s6 =	simm.s32 $0x4C00  }
0x69: {  	[tilespmem:s6], [sflag:$0x1] =	stream.indirect_vreg.gather [hbm4b:s3+s2], $0x80, v3, vm0, $0xb8;
	[tilespmem:$0xF400] =	vst v63  }
0x6a: {  	_ = 	snop  }
0x6b: {  	[tilespmem:s20], [sflag:$0x2] =	stream.indirect.gather [hbm4b:s4+s1], $0x80, s2, s1, $0xb8;
	[tilespmem:$0xF400] =	vst v63  }
0x6c: {  	_ =	swait.ge [sflag:s30], $0x5000  }
0x6d: {  	[sflag:s30] =	ssyncset.done $0x0  }
0x6e: {  	[sflag:s30] =	ssyncadd.s32 $0xFFFFB000  }
0x6f: {  	_ =	swait.ge [sflag:s31], $0x2800  }
0x70: {  	[sflag:s31] =	ssyncset.done $0x0  }
0x71: {  	s0 =	simm.s32 $0x800;
	s5 =	rddreg [dreg:$0xd];
	[sflag:s31] =	ssyncadd.s32 $0xFFFFD800  }
0x72: {  	[hbm4b:s5+s0] =	stream.strided.scatter [tilespmem:s17], [sflag:$0x3], $0x5000, s18, s0, $0x38;
	[tilespmem:$0xF400] =	vst v63  }
0x73: {  	_ =	swait.ge [sflag:s12], $0x5000  }
0x74: {  	[sflag:s12] =	ssyncset.done $0x0  }
0x75: {  	s5 =	rddreg [dreg:$0x7];
	[sflag:s12] =	ssyncadd.s32 $0xFFFFB000  }
0x76: {  	[hbm4b:s5+s17] =	stream.strided.scatter [tilespmem:s20], [sflag:$0x3], $0x2800, s18, s17, $0x38;
	[tilespmem:$0xF400] =	vst v63  }
0x77: {  	_ =	swait.ge [sflag:s12], $0x2800  }
0x78: {  	[sflag:s12] =	ssyncset.done $0x0  }
0x79: {  	[sflag:s12] =	ssyncadd.s32 $0xFFFFD800  }
0x7a: {  	v3 =	vld [tilespmem:$0x80];
	_ =	sdelay $0x4  }
0x7b: {  	v44 =	vshrl.u32 v3, $0x3  }
0x7c: {  	v4 =	vmul.u32 $0x18, v44  }
0x7d: {  	v3 =	vand.u32 $0x7, v3  }
0x7e: {  	v3 =	vor.u32 v3, v4  }
0x7f: {  	v4 =	vperm.xlane v3, v0;
	_ =	sdelay $0x1  }
0x80: {  	v3 =	vperm.xlane v3, v2;
	v4 =	vadd.s32 v1, v4;
	_ =	sdelay $0x1  }
0x81: {  	v3 =	vadd.s32 v1, v3;
	_ =	sdelay $0x1  }
0x82: {  	s5 =	simm.s32 $0x5400  }
0x83: {  	[tilespmem:s5], [sflag:$0x1] =	stream.indirect_vreg.gather [hbm4b:s3+s2], $0x80, v4, vm0, $0xb8;
	[tilespmem:$0xF400] =	vst v63  }
0x84: {  	_ = 	snop  }
0x85: {  	[tilespmem:s16], [sflag:$0x1] =	stream.indirect_vreg.gather [hbm4b:s3+s2], $0x80, v3, vm0, $0xb8;
	[tilespmem:$0xF400] =	vst v63  }
0x86: {  	v3 =	vld [tilespmem:$0x90];
	_ =	sdelay $0x4  }
0x87: {  	v45 =	vshrl.u32 v3, $0x3  }
0x88: {  	v4 =	vmul.u32 $0x18, v45  }
0x89: {  	v3 =	vand.u32 $0x7, v3  }
0x8a: {  	v3 =	vor.u32 v3, v4  }
0x8b: {  	v4 =	vperm.xlane v3, v0;
	_ =	sdelay $0x1  }
0x8c: {  	v3 =	vperm.xlane v3, v2;
	v4 =	vadd.s32 v1, v4;
	_ =	sdelay $0x1  }
0x8d: {  	v3 =	vadd.s32 v1, v3;
	_ =	sdelay $0x2  }
0x8e: {  	[tilespmem:s8], [sflag:$0x1] =	stream.indirect_vreg.gather [hbm4b:s3+s2], $0x80, v4, vm0, $0xb8;
	[tilespmem:$0xF400] =	vst v63  }
0x8f: {  	_ = 	snop  }
0x90: {  	[tilespmem:s9], [sflag:$0x1] =	stream.indirect_vreg.gather [hbm4b:s3+s2], $0x80, v3, vm0, $0xb8;
	[tilespmem:$0xF400] =	vst v63  }
0x91: {  	v3 =	vld [tilespmem:$0xA0];
	_ =	sdelay $0x4  }
0x92: {  	v46 =	vshrl.u32 v3, $0x3  }
0x93: {  	v4 =	vmul.u32 $0x18, v46  }
0x94: {  	v3 =	vand.u32 $0x7, v3  }
0x95: {  	v3 =	vor.u32 v3, v4  }
0x96: {  	v4 =	vperm.xlane v3, v0;
	_ =	sdelay $0x1  }
0x97: {  	v3 =	vperm.xlane v3, v2;
	v4 =	vadd.s32 v1, v4;
	_ =	sdelay $0x1  }
0x98: {  	v3 =	vadd.s32 v1, v3;
	_ =	sdelay $0x2  }
0x99: {  	[tilespmem:s10], [sflag:$0x1] =	stream.indirect_vreg.gather [hbm4b:s3+s2], $0x80, v4, vm0, $0xb8;
	[tilespmem:$0xF400] =	vst v63  }
0x9a: {  	_ = 	snop  }
0x9b: {  	[tilespmem:s19], [sflag:$0x1] =	stream.indirect_vreg.gather [hbm4b:s3+s2], $0x80, v3, vm0, $0xb8;
	[tilespmem:$0xF400] =	vst v63  }
0x9c: {  	v3 =	vld [tilespmem:$0xB0];
	_ =	sdelay $0x4  }
0x9d: {  	v47 =	vshrl.u32 v3, $0x3  }
0x9e: {  	v4 =	vmul.u32 $0x18, v47  }
0x9f: {  	v3 =	vand.u32 $0x7, v3  }
0xa0: {  	v3 =	vor.u32 v3, v4  }
0xa1: {  	v4 =	vperm.xlane v3, v0;
	_ =	sdelay $0x1  }
0xa2: {  	v3 =	vperm.xlane v3, v2;
	v4 =	vadd.s32 v1, v4;
	_ =	sdelay $0x1  }
0xa3: {  	v3 =	vadd.s32 v1, v3;
	_ =	sdelay $0x2  }
0xa4: {  	[tilespmem:s15], [sflag:$0x1] =	stream.indirect_vreg.gather [hbm4b:s3+s2], $0x80, v4, vm0, $0xb8;
	[tilespmem:$0xF400] =	vst v63  }
0xa5: {  	_ = 	snop  }
0xa6: {  	[tilespmem:s28], [sflag:$0x1] =	stream.indirect_vreg.gather [hbm4b:s3+s2], $0x80, v3, vm0, $0xb8;
	[tilespmem:$0xF400] =	vst v63  }
0xa7: {  	v3 =	vld [tilespmem:$0xC0];
	_ =	sdelay $0x4  }
0xa8: {  	v48 =	vshrl.u32 v3, $0x3  }
0xa9: {  	v4 =	vmul.u32 $0x18, v48  }
0xaa: {  	v3 =	vand.u32 $0x7, v3  }
0xab: {  	v3 =	vor.u32 v3, v4  }
0xac: {  	v4 =	vperm.xlane v3, v0;
	_ =	sdelay $0x1  }
0xad: {  	v3 =	vperm.xlane v3, v2;
	v4 =	vadd.s32 v1, v4;
	_ =	sdelay $0x1  }
0xae: {  	v3 =	vadd.s32 v1, v3;
	_ =	sdelay $0x2  }
0xaf: {  	[tilespmem:s14], [sflag:$0x1] =	stream.indirect_vreg.gather [hbm4b:s3+s2], $0x80, v4, vm0, $0xb8;
	[tilespmem:$0xF400] =	vst v63  }
0xb0: {  	_ = 	snop  }
0xb1: {  	[tilespmem:s29], [sflag:$0x1] =	stream.indirect_vreg.gather [hbm4b:s3+s2], $0x80, v3, vm0, $0xb8;
	[tilespmem:$0xF400] =	vst v63  }
0xb2: {  	_ = 	snop  }
0xb3: {  	[tilespmem:s13], [sflag:$0x2] =	stream.indirect.gather [hbm4b:s4+s1], $0x80, s7, s1, $0xb8;
	[tilespmem:$0xF400] =	vst v63  }
0xb4: {  	_ =	swait.ge [sflag:s30], $0x5000  }
0xb5: {  	[sflag:s30] =	ssyncset.done $0x0  }
0xb6: {  	[sflag:s30] =	ssyncadd.s32 $0xFFFFB000  }
0xb7: {  	_ =	swait.ge [sflag:s31], $0x2800  }
0xb8: {  	[sflag:s31] =	ssyncset.done $0x0  }
0xb9: {  	s7 =	rddreg [dreg:$0xe];
	[sflag:s31] =	ssyncadd.s32 $0xFFFFD800  }
0xba: {  	[hbm4b:s7+s0] =	stream.strided.scatter [tilespmem:s5], [sflag:$0x3], $0x5000, s18, s0, $0x38;
	[tilespmem:$0xF400] =	vst v63  }
0xbb: {  	_ =	swait.ge [sflag:s12], $0x5000  }
0xbc: {  	[sflag:s12] =	ssyncset.done $0x0  }
0xbd: {  	s7 =	rddreg [dreg:$0x8];
	[sflag:s12] =	ssyncadd.s32 $0xFFFFB000  }
0xbe: {  	[hbm4b:s7+s17] =	stream.strided.scatter [tilespmem:s13], [sflag:$0x3], $0x2800, s18, s17, $0x38;
	[tilespmem:$0xF400] =	vst v63  }
0xbf: {  	_ =	swait.ge [sflag:s12], $0x2800  }
0xc0: {  	[sflag:s12] =	ssyncset.done $0x0  }
0xc1: {  	[sflag:s12] =	ssyncadd.s32 $0xFFFFD800  }
0xc2: {  	v3 =	vld [tilespmem:$0x100];
	_ =	sdelay $0x4  }
0xc3: {  	v49 =	vshrl.u32 v3, $0x3  }
0xc4: {  	v4 =	vmul.u32 $0x18, v49  }
0xc5: {  	v3 =	vand.u32 $0x7, v3  }
0xc6: {  	v3 =	vor.u32 v3, v4  }
0xc7: {  	v4 =	vperm.xlane v3, v0;
	_ =	sdelay $0x1  }
0xc8: {  	v3 =	vperm.xlane v3, v2;
	v4 =	vadd.s32 v1, v4;
	_ =	sdelay $0x1  }
0xc9: {  	v3 =	vadd.s32 v1, v3;
	_ =	sdelay $0x2  }
0xca: {  	[tilespmem:s17], [sflag:$0x1] =	stream.indirect_vreg.gather [hbm4b:s3+s2], $0x80, v4, vm0, $0xb8;
	[tilespmem:$0xF400] =	vst v63  }
0xcb: {  	_ = 	snop  }
0xcc: {  	[tilespmem:s18], [sflag:$0x1] =	stream.indirect_vreg.gather [hbm4b:s3+s2], $0x80, v3, vm0, $0xb8;
	[tilespmem:$0xF400] =	vst v63  }
0xcd: {  	v3 =	vld [tilespmem:$0x110];
	_ =	sdelay $0x4  }
0xce: {  	v50 =	vshrl.u32 v3, $0x3  }
0xcf: {  	v4 =	vmul.u32 $0x18, v50  }
0xd0: {  	v3 =	vand.u32 $0x7, v3  }
0xd1: {  	v3 =	vor.u32 v3, v4  }
0xd2: {  	v4 =	vperm.xlane v3, v0;
	_ =	sdelay $0x1  }
0xd3: {  	v3 =	vperm.xlane v3, v2;
	v4 =	vadd.s32 v1, v4;
	_ =	sdelay $0x1  }
0xd4: {  	v3 =	vadd.s32 v1, v3;
	_ =	sdelay $0x1  }
0xd5: {  	s7 =	simm.s32 $0x1400  }
0xd6: {  	[tilespmem:s7], [sflag:$0x1] =	stream.indirect_vreg.gather [hbm4b:s3+s2], $0x80, v4, vm0, $0xb8;
	[tilespmem:$0xF400] =	vst v63  }
0xd7: {  	_ = 	snop  }
0xd8: {  	[tilespmem:s21], [sflag:$0x1] =	stream.indirect_vreg.gather [hbm4b:s3+s2], $0x80, v3, vm0, $0xb8;
	[tilespmem:$0xF400] =	vst v63  }
0xd9: {  	v3 =	vld [tilespmem:$0x120];
	_ =	sdelay $0x4  }
0xda: {  	v51 =	vshrl.u32 v3, $0x3  }
0xdb: {  	v4 =	vmul.u32 $0x18, v51  }
0xdc: {  	v3 =	vand.u32 $0x7, v3  }
0xdd: {  	v3 =	vor.u32 v3, v4  }
0xde: {  	v4 =	vperm.xlane v3, v0;
	_ =	sdelay $0x1  }
0xdf: {  	v3 =	vperm.xlane v3, v2;
	v4 =	vadd.s32 v1, v4;
	_ =	sdelay $0x1  }
0xe0: {  	v3 =	vadd.s32 v1, v3;
	_ =	sdelay $0x2  }
0xe1: {  	[tilespmem:s22], [sflag:$0x1] =	stream.indirect_vreg.gather [hbm4b:s3+s2], $0x80, v4, vm0, $0xb8;
	[tilespmem:$0xF400] =	vst v63  }
0xe2: {  	_ = 	snop  }
0xe3: {  	[tilespmem:s23], [sflag:$0x1] =	stream.indirect_vreg.gather [hbm4b:s3+s2], $0x80, v3, vm0, $0xb8;
	[tilespmem:$0xF400] =	vst v63  }
0xe4: {  	v3 =	vld [tilespmem:$0x130];
	_ =	sdelay $0x4  }
0xe5: {  	v52 =	vshrl.u32 v3, $0x3  }
0xe6: {  	v4 =	vmul.u32 $0x18, v52  }
0xe7: {  	v3 =	vand.u32 $0x7, v3  }
0xe8: {  	v3 =	vor.u32 v3, v4  }
0xe9: {  	v4 =	vperm.xlane v3, v0;
	_ =	sdelay $0x1  }
0xea: {  	v3 =	vperm.xlane v3, v2;
	v4 =	vadd.s32 v1, v4;
	_ =	sdelay $0x1  }
0xeb: {  	v3 =	vadd.s32 v1, v3;
	_ =	sdelay $0x2  }
0xec: {  	[tilespmem:s24], [sflag:$0x1] =	stream.indirect_vreg.gather [hbm4b:s3+s2], $0x80, v4, vm0, $0xb8;
	[tilespmem:$0xF400] =	vst v63  }
0xed: {  	_ = 	snop  }
0xee: {  	[tilespmem:s25], [sflag:$0x1] =	stream.indirect_vreg.gather [hbm4b:s3+s2], $0x80, v3, vm0, $0xb8;
	[tilespmem:$0xF400] =	vst v63  }
0xef: {  	v3 =	vld [tilespmem:$0x140];
	_ =	sdelay $0x4  }
0xf0: {  	v53 =	vshrl.u32 v3, $0x3  }
0xf1: {  	v4 =	vmul.u32 $0x18, v53  }
0xf2: {  	v3 =	vand.u32 $0x7, v3  }
0xf3: {  	v3 =	vor.u32 v3, v4  }
0xf4: {  	v4 =	vperm.xlane v3, v0;
	_ =	sdelay $0x1  }
0xf5: {  	v3 =	vperm.xlane v3, v2;
	v4 =	vadd.s32 v1, v4;
	_ =	sdelay $0x1  }
0xf6: {  	v3 =	vadd.s32 v1, v3;
	_ =	sdelay $0x2  }
0xf7: {  	[tilespmem:s26], [sflag:$0x1] =	stream.indirect_vreg.gather [hbm4b:s3+s2], $0x80, v4, vm0, $0xb8;
	[tilespmem:$0xF400] =	vst v63  }
0xf8: {  	s6 =	simm.s32 $0x4C00  }
0xf9: {  	[tilespmem:s6], [sflag:$0x1] =	stream.indirect_vreg.gather [hbm4b:s3+s2], $0x80, v3, vm0, $0xb8;
	[tilespmem:$0xF400] =	vst v63  }
0xfa: {  	s6 =	simm.s32 $0x100  }
0xfb: {  	[tilespmem:s20], [sflag:$0x2] =	stream.indirect.gather [hbm4b:s4+s1], $0x80, s6, s1, $0xb8;
	[tilespmem:$0xF400] =	vst v63  }
0xfc: {  	_ =	swait.ge [sflag:s30], $0x5000  }
0xfd: {  	[sflag:s30] =	ssyncset.done $0x0  }
0xfe: {  	[sflag:s30] =	ssyncadd.s32 $0xFFFFB000  }
0xff: {  	_ =	swait.ge [sflag:s31], $0x2800  }
0x100: {  	[sflag:s31] =	ssyncset.done $0x0  }
0x101: {  	s6 =	rddreg [dreg:$0xf];
	[sflag:s31] =	ssyncadd.s32 $0xFFFFD800  }
0x102: {  	[hbm4b:s6+s0] =	stream.strided.scatter [tilespmem:s17], [sflag:$0x3], $0x5000, s18, s0, $0x38;
	[tilespmem:$0xF400] =	vst v63  }
0x103: {  	_ =	swait.ge [sflag:s12], $0x5000  }
0x104: {  	[sflag:s12] =	ssyncset.done $0x0  }
0x105: {  	s6 =	rddreg [dreg:$0x9];
	[sflag:s12] =	ssyncadd.s32 $0xFFFFB000  }
0x106: {  	[hbm4b:s6+s17] =	stream.strided.scatter [tilespmem:s20], [sflag:$0x3], $0x2800, s18, s17, $0x38;
	[tilespmem:$0xF400] =	vst v63  }
0x107: {  	_ =	swait.ge [sflag:s12], $0x2800  }
0x108: {  	[sflag:s12] =	ssyncset.done $0x0  }
0x109: {  	[sflag:s12] =	ssyncadd.s32 $0xFFFFD800  }
0x10a: {  	v3 =	vld [tilespmem:$0x180];
	_ =	sdelay $0x4  }
0x10b: {  	v54 =	vshrl.u32 v3, $0x3  }
0x10c: {  	v4 =	vmul.u32 $0x18, v54  }
0x10d: {  	v3 =	vand.u32 $0x7, v3  }
0x10e: {  	v3 =	vor.u32 v3, v4  }
0x10f: {  	v4 =	vperm.xlane v3, v0;
	_ =	sdelay $0x1  }
0x110: {  	v3 =	vperm.xlane v3, v2;
	v4 =	vadd.s32 v1, v4;
	_ =	sdelay $0x1  }
0x111: {  	v3 =	vadd.s32 v1, v3;
	_ =	sdelay $0x2  }
0x112: {  	[tilespmem:s5], [sflag:$0x1] =	stream.indirect_vreg.gather [hbm4b:s3+s2], $0x80, v4, vm0, $0xb8;
	[tilespmem:$0xF400] =	vst v63  }
0x113: {  	_ = 	snop  }
0x114: {  	[tilespmem:s16], [sflag:$0x1] =	stream.indirect_vreg.gather [hbm4b:s3+s2], $0x80, v3, vm0, $0xb8;
	[tilespmem:$0xF400] =	vst v63  }
0x115: {  	v3 =	vld [tilespmem:$0x190];
	_ =	sdelay $0x4  }
0x116: {  	v55 =	vshrl.u32 v3, $0x3  }
0x117: {  	v4 =	vmul.u32 $0x18, v55  }
0x118: {  	v3 =	vand.u32 $0x7, v3  }
0x119: {  	v3 =	vor.u32 v3, v4  }
0x11a: {  	v4 =	vperm.xlane v3, v0;
	_ =	sdelay $0x1  }
0x11b: {  	v3 =	vperm.xlane v3, v2;
	v4 =	vadd.s32 v1, v4;
	_ =	sdelay $0x1  }
0x11c: {  	v3 =	vadd.s32 v1, v3;
	_ =	sdelay $0x2  }
0x11d: {  	[tilespmem:s8], [sflag:$0x1] =	stream.indirect_vreg.gather [hbm4b:s3+s2], $0x80, v4, vm0, $0xb8;
	[tilespmem:$0xF400] =	vst v63  }
0x11e: {  	_ = 	snop  }
0x11f: {  	[tilespmem:s9], [sflag:$0x1] =	stream.indirect_vreg.gather [hbm4b:s3+s2], $0x80, v3, vm0, $0xb8;
	[tilespmem:$0xF400] =	vst v63  }
0x120: {  	v3 =	vld [tilespmem:$0x1A0];
	_ =	sdelay $0x4  }
0x121: {  	v56 =	vshrl.u32 v3, $0x3  }
0x122: {  	v4 =	vmul.u32 $0x18, v56  }
0x123: {  	v3 =	vand.u32 $0x7, v3  }
0x124: {  	v3 =	vor.u32 v3, v4  }
0x125: {  	v4 =	vperm.xlane v3, v0;
	_ =	sdelay $0x1  }
0x126: {  	v3 =	vperm.xlane v3, v2;
	v4 =	vadd.s32 v1, v4;
	_ =	sdelay $0x1  }
0x127: {  	v3 =	vadd.s32 v1, v3;
	_ =	sdelay $0x2  }
0x128: {  	[tilespmem:s10], [sflag:$0x1] =	stream.indirect_vreg.gather [hbm4b:s3+s2], $0x80, v4, vm0, $0xb8;
	[tilespmem:$0xF400] =	vst v63  }
0x129: {  	_ = 	snop  }
0x12a: {  	[tilespmem:s19], [sflag:$0x1] =	stream.indirect_vreg.gather [hbm4b:s3+s2], $0x80, v3, vm0, $0xb8;
	[tilespmem:$0xF400] =	vst v63  }
0x12b: {  	v3 =	vld [tilespmem:$0x1B0];
	_ =	sdelay $0x4  }
0x12c: {  	v57 =	vshrl.u32 v3, $0x3  }
0x12d: {  	v4 =	vmul.u32 $0x18, v57  }
0x12e: {  	v3 =	vand.u32 $0x7, v3  }
0x12f: {  	v3 =	vor.u32 v3, v4  }
0x130: {  	v4 =	vperm.xlane v3, v0;
	_ =	sdelay $0x1  }
0x131: {  	v3 =	vperm.xlane v3, v2;
	v4 =	vadd.s32 v1, v4;
	_ =	sdelay $0x1  }
0x132: {  	v3 =	vadd.s32 v1, v3;
	_ =	sdelay $0x2  }
0x133: {  	[tilespmem:s15], [sflag:$0x1] =	stream.indirect_vreg.gather [hbm4b:s3+s2], $0x80, v4, vm0, $0xb8;
	[tilespmem:$0xF400] =	vst v63  }
0x134: {  	_ = 	snop  }
0x135: {  	[tilespmem:s28], [sflag:$0x1] =	stream.indirect_vreg.gather [hbm4b:s3+s2], $0x80, v3, vm0, $0xb8;
	[tilespmem:$0xF400] =	vst v63  }
0x136: {  	v3 =	vld [tilespmem:$0x1C0];
	_ =	sdelay $0x4  }
0x137: {  	v58 =	vshrl.u32 v3, $0x3  }
0x138: {  	v4 =	vmul.u32 $0x18, v58  }
0x139: {  	v3 =	vand.u32 $0x7, v3  }
0x13a: {  	v3 =	vor.u32 v3, v4  }
0x13b: {  	v4 =	vperm.xlane v3, v0;
	_ =	sdelay $0x1  }
0x13c: {  	v3 =	vperm.xlane v3, v2;
	v4 =	vadd.s32 v1, v4;
	_ =	sdelay $0x1  }
0x13d: {  	v3 =	vadd.s32 v1, v3;
	_ =	sdelay $0x2  }
0x13e: {  	[tilespmem:s14], [sflag:$0x1] =	stream.indirect_vreg.gather [hbm4b:s3+s2], $0x80, v4, vm0, $0xb8;
	[tilespmem:$0xF400] =	vst v63  }
0x13f: {  	_ = 	snop  }
0x140: {  	[tilespmem:s29], [sflag:$0x1] =	stream.indirect_vreg.gather [hbm4b:s3+s2], $0x80, v3, vm0, $0xb8;
	[tilespmem:$0xF400] =	vst v63  }
0x141: {  	s6 =	simm.s32 $0x180  }
0x142: {  	[tilespmem:s13], [sflag:$0x2] =	stream.indirect.gather [hbm4b:s4+s1], $0x80, s6, s1, $0xb8;
	[tilespmem:$0xF400] =	vst v63  }
0x143: {  	_ =	swait.ge [sflag:s30], $0x5000  }
0x144: {  	[sflag:s30] =	ssyncset.done $0x0  }
0x145: {  	[sflag:s30] =	ssyncadd.s32 $0xFFFFB000  }
0x146: {  	_ =	swait.ge [sflag:s31], $0x2800  }
0x147: {  	[sflag:s31] =	ssyncset.done $0x0  }
0x148: {  	s6 =	rddreg [dreg:$0x10];
	[sflag:s31] =	ssyncadd.s32 $0xFFFFD800  }
0x149: {  	[hbm4b:s6+s0] =	stream.strided.scatter [tilespmem:s5], [sflag:$0x3], $0x5000, s18, s0, $0x38;
	[tilespmem:$0xF400] =	vst v63  }
0x14a: {  	_ =	swait.ge [sflag:s12], $0x5000  }
0x14b: {  	[sflag:s12] =	ssyncset.done $0x0  }
0x14c: {  	s5 =	rddreg [dreg:$0xa];
	[sflag:s12] =	ssyncadd.s32 $0xFFFFB000  }
0x14d: {  	[hbm4b:s5+s17] =	stream.strided.scatter [tilespmem:s13], [sflag:$0x3], $0x2800, s18, s17, $0x38;
	[tilespmem:$0xF400] =	vst v63  }
0x14e: {  	_ =	swait.ge [sflag:s12], $0x2800  }
0x14f: {  	[sflag:s12] =	ssyncset.done $0x0  }
0x150: {  	[sflag:s12] =	ssyncadd.s32 $0xFFFFD800  }
0x151: {  	v3 =	vld [tilespmem:$0x200];
	_ =	sdelay $0x4  }
0x152: {  	v59 =	vshrl.u32 v3, $0x3  }
0x153: {  	v4 =	vmul.u32 $0x18, v59  }
0x154: {  	v3 =	vand.u32 $0x7, v3  }
0x155: {  	v3 =	vor.u32 v3, v4  }
0x156: {  	v4 =	vperm.xlane v3, v0;
	_ =	sdelay $0x1  }
0x157: {  	v3 =	vperm.xlane v3, v2;
	v4 =	vadd.s32 v1, v4;
	_ =	sdelay $0x1  }
0x158: {  	v3 =	vadd.s32 v1, v3;
	_ =	sdelay $0x2  }
0x159: {  	[tilespmem:s17], [sflag:$0x1] =	stream.indirect_vreg.gather [hbm4b:s3+s2], $0x80, v4, vm0, $0xb8;
	[tilespmem:$0xF400] =	vst v63  }
0x15a: {  	_ = 	snop  }
0x15b: {  	[tilespmem:s18], [sflag:$0x1] =	stream.indirect_vreg.gather [hbm4b:s3+s2], $0x80, v3, vm0, $0xb8;
	[tilespmem:$0xF400] =	vst v63  }
0x15c: {  	v3 =	vld [tilespmem:$0x210];
	_ =	sdelay $0x4  }
0x15d: {  	v60 =	vshrl.u32 v3, $0x3  }
0x15e: {  	v4 =	vmul.u32 $0x18, v60  }
0x15f: {  	v3 =	vand.u32 $0x7, v3  }
0x160: {  	v3 =	vor.u32 v3, v4  }
0x161: {  	v4 =	vperm.xlane v3, v0;
	_ =	sdelay $0x1  }
0x162: {  	v3 =	vperm.xlane v3, v2;
	v4 =	vadd.s32 v1, v4;
	_ =	sdelay $0x1  }
0x163: {  	v3 =	vadd.s32 v1, v3;
	_ =	sdelay $0x1  }
0x164: {  	s7 =	simm.s32 $0x1400  }
0x165: {  	[tilespmem:s7], [sflag:$0x1] =	stream.indirect_vreg.gather [hbm4b:s3+s2], $0x80, v4, vm0, $0xb8;
	[tilespmem:$0xF400] =	vst v63  }
0x166: {  	_ = 	snop  }
0x167: {  	[tilespmem:s21], [sflag:$0x1] =	stream.indirect_vreg.gather [hbm4b:s3+s2], $0x80, v3, vm0, $0xb8;
	[tilespmem:$0xF400] =	vst v63  }
0x168: {  	v3 =	vld [tilespmem:$0x220];
	_ =	sdelay $0x4  }
0x169: {  	v61 =	vshrl.u32 v3, $0x3  }
0x16a: {  	v4 =	vmul.u32 $0x18, v61  }
0x16b: {  	v3 =	vand.u32 $0x7, v3  }
0x16c: {  	v3 =	vor.u32 v3, v4  }
0x16d: {  	v4 =	vperm.xlane v3, v0;
	_ =	sdelay $0x1  }
0x16e: {  	v3 =	vperm.xlane v3, v2;
	v4 =	vadd.s32 v1, v4;
	_ =	sdelay $0x1  }
0x16f: {  	v3 =	vadd.s32 v1, v3;
	_ =	sdelay $0x2  }
0x170: {  	[tilespmem:s22], [sflag:$0x1] =	stream.indirect_vreg.gather [hbm4b:s3+s2], $0x80, v4, vm0, $0xb8;
	[tilespmem:$0xF400] =	vst v63  }
0x171: {  	_ = 	snop  }
0x172: {  	[tilespmem:s23], [sflag:$0x1] =	stream.indirect_vreg.gather [hbm4b:s3+s2], $0x80, v3, vm0, $0xb8;
	[tilespmem:$0xF400] =	vst v63  }
0x173: {  	v3 =	vld [tilespmem:$0x230];
	_ =	sdelay $0x4  }
0x174: {  	v62 =	vshrl.u32 v3, $0x3  }
0x175: {  	v4 =	vmul.u32 $0x18, v62  }
0x176: {  	v3 =	vand.u32 $0x7, v3  }
0x177: {  	v3 =	vor.u32 v3, v4  }
0x178: {  	v4 =	vperm.xlane v3, v0;
	_ =	sdelay $0x1  }
0x179: {  	v3 =	vperm.xlane v3, v2;
	v4 =	vadd.s32 v1, v4;
	_ =	sdelay $0x1  }
0x17a: {  	v3 =	vadd.s32 v1, v3;
	_ =	sdelay $0x2  }
0x17b: {  	[tilespmem:s24], [sflag:$0x1] =	stream.indirect_vreg.gather [hbm4b:s3+s2], $0x80, v4, vm0, $0xb8;
	[tilespmem:$0xF400] =	vst v63  }
0x17c: {  	_ = 	snop  }
0x17d: {  	[tilespmem:s25], [sflag:$0x1] =	stream.indirect_vreg.gather [hbm4b:s3+s2], $0x80, v3, vm0, $0xb8;
	[tilespmem:$0xF400] =	vst v63  }
0x17e: {  	v3 =	vld [tilespmem:$0x240];
	_ =	sdelay $0x4  }
0x17f: {  	v63 =	vshrl.u32 v3, $0x3  }
0x180: {  	v4 =	vmul.u32 $0x18, v63  }
0x181: {  	v3 =	vand.u32 $0x7, v3  }
0x182: {  	v3 =	vor.u32 v3, v4  }
0x183: {  	v4 =	vperm.xlane v3, v0;
	_ =	sdelay $0x1  }
0x184: {  	v3 =	vperm.xlane v3, v2;
	v4 =	vadd.s32 v1, v4;
	_ =	sdelay $0x1  }
0x185: {  	v3 =	vadd.s32 v1, v3;
	_ =	sdelay $0x2  }
0x186: {  	[tilespmem:s26], [sflag:$0x1] =	stream.indirect_vreg.gather [hbm4b:s3+s2], $0x80, v4, vm0, $0xb8;
	[tilespmem:$0xF400] =	vst v63  }
0x187: {  	s6 =	simm.s32 $0x4C00  }
0x188: {  	[tilespmem:s6], [sflag:$0x1] =	stream.indirect_vreg.gather [hbm4b:s3+s2], $0x80, v3, vm0, $0xb8;
	[tilespmem:$0xF400] =	vst v63  }
0x189: {  	s7 =	simm.s32 $0x200  }
0x18a: {  	[tilespmem:s20], [sflag:$0x2] =	stream.indirect.gather [hbm4b:s4+s1], $0x80, s7, s1, $0xb8;
	[tilespmem:$0xF400] =	vst v63  }
0x18b: {  	_ =	swait.ge [sflag:s30], $0x5000  }
0x18c: {  	[sflag:s30] =	ssyncset.done $0x0  }
0x18d: {  	[sflag:s30] =	ssyncadd.s32 $0xFFFFB000  }
0x18e: {  	_ =	swait.ge [sflag:s31], $0x2800  }
0x18f: {  	[sflag:s31] =	ssyncset.done $0x0  }
0x190: {  	s5 =	rddreg [dreg:$0x11];
	[sflag:s31] =	ssyncadd.s32 $0xFFFFD800  }
0x191: {  	[hbm4b:s5+s0] =	stream.strided.scatter [tilespmem:s17], [sflag:$0x3], $0x5000, s18, s0, $0x38;
	[tilespmem:$0xF400] =	vst v63  }
0x192: {  	_ =	swait.ge [sflag:s12], $0x5000  }
0x193: {  	p0 =	sne.s32 s11, $0x1;
	[sflag:s12] =	ssyncset.done $0x0  }
.Ltmp0:
0x194: {  	s7 =	rddreg [dreg:$0xb];
	[sflag:s12] =	ssyncadd.s32 $0xFFFFB000;
	(pc) =	sbr.rel @p0 .LBB2_1-.Ltmp0, $4  }
0x195: {  	[hbm4b:s7+s17] =	stream.strided.scatter [tilespmem:s20], [sflag:$0x3], $0x2800, s18, s17, $0x38;
	[tilespmem:$0xF400] =	vst v63  }
0x196: {  	_ =	swait.ge [sflag:s12], $0x2800  }
0x197: {  	[sflag:s12] =	ssyncset.done $0x0  }
0x198: {  	s11 =	sadd.s32 $0xFFFFFFFF, s11;
	[sflag:s12] =	ssyncadd.s32 $0xFFFFD800  }
0x199: {  	_ =	sfence.sel $0x180000  }
0x19a: {  	[bflag:$0x0] =	sbarrier.arrive $0xFFFF  }
0x19b: {  	_ =	strace $0x90000047  }
0x19c: {  	s0 =	stileid.u32;
	[bflag:$0x2] =	sbarrier.arrive $0xFFFF  }
0x19d: {  	p0 =	sne.s32 s0, $0x0;
	s0 =	rddreg [dreg:$0x2]  }
0x19e: {  	s0 =	sadd.s32 @!p0 $0x100000, s0  }
0x19f: {  	[sflag:s0] =	ssyncadd.tile.s32 @!p0 $0x1;
	_ =	shalt  }
.Lfunc_end2:
_tile_overlayer_lowered:
.L_overlay_start_2:
0x1a0: {  	(tag) =	ssettag $0x2  }
0x1a1: {  	s0 =	rddreg [dreg:$0x0];
	s2 =	stileid.u32  }
0x1a2: {  	s1 =	rddreg [dreg:$0x1];
	p0 =	sne.s32 s2, $0x0  }
0x1a3: {  	s3 =	rddreg [dreg:$0x2];
	[bflag:$0x3] =	sbarrier.arrive $0xFFFF;
	s2 =	simm.s32 @!p0 $0x1C03  }
0x1a4: {  	[timem:s3], [sflag:s2] =	dma.local @!p0 [hbm:s0], s1  }
0x1a5: {  	s0 =	simm.s32 @!p0 $0x3  }
0x1a6: {  	_ =	swait.ge @!p0 [sflag:s0], s1  }
0x1a7: {  	s1 =	ssub.s32 @!p0 $0x0, s1;
	[sflag:s0] =	ssyncset.done @!p0 $0x0  }
0x1a8: {  	[sflag:s0] =	ssyncadd.s32 @!p0 s1  }
0x1a9: {  	[bflag:$0x3] =	sbarrier.arrive $0xFFFF  }
0x1aa: {  	_ =	shalt  }

</sc_bundles>
